<compile_context>
chip_gen: v7x
topology: tpu7x:2x2x1
jax: 0.10.2.dev20260603
libtpu: 0.0.44.dev20260713+nightly
codegen_flags: <defaults>
</compile_context>

<pallas_src>
import functools

import jax
import jax.numpy as jnp
from jax import lax
from jax.experimental import pallas as pl
from jax.experimental.pallas import tpu as pltpu
from jax.experimental.pallas import tpu_sc as plsc

_BACK = 1024
_FORW = 7168

_NC = 2
_NS = 16
_NW = _NC * _NS
_L = 16

_B = 4
_N = 8192
_D = 1024
_OUT_ROWS = _FORW - _BACK
_TOT_ROWS = _B * _OUT_ROWS

_SC_ROWS = 3072
_RPW = _SC_ROWS // _NW
_C = 32
_NCHUNK = _RPW // _C
_SC_IN0 = (_B - 1) * _N + _FORW - _SC_ROWS
_SC_BASE = (_B - 1) * _N

_TC_ROWS = _TOT_ROWS - _SC_ROWS


def _sc_body(x_hbm, o_hbm, base_v, b0, b1, b2, si0, si1, si2, so0, so1, so2):
    wid = lax.axis_index("s") * _NC + lax.axis_index("c")
    in_row0 = _SC_IN0 + wid * _RPW
    out_row0 = _TC_ROWS + wid * _RPW

    bufs = (b0, b1, b2)
    isems = (si0, si1, si2)
    osems = (so0, so1, so2)

    def start_in(i, g):
        pltpu.async_copy(x_hbm.at[pl.ds(in_row0 + g * _C, _C), :], bufs[i], isems[i])

    def wait_in(i, g):
        pltpu.make_async_copy(
            x_hbm.at[pl.ds(in_row0 + g * _C, _C), :], bufs[i], isems[i]
        ).wait()

    def start_out(i, g):
        pltpu.async_copy(bufs[i], o_hbm.at[pl.ds(out_row0 + g * _C, _C), :], osems[i])

    def wait_out(i, g):
        pltpu.make_async_copy(
            bufs[i], o_hbm.at[pl.ds(out_row0 + g * _C, _C), :], osems[i]
        ).wait()

    def compute(i):
        buf = bufs[i]

        def col_body(c, carry):
            sl = pl.ds(c * _L, _L)
            bvec = base_v[sl]

            @plsc.parallel_loop(0, _C, unroll=8)
            def _(r):
                buf[r, sl] = buf[r, sl] - bvec

            return carry

        lax.fori_loop(0, _D // _L, col_body, 0)

    start_in(0, 0)
    start_in(1, 1)
    pltpu.sync_copy(x_hbm.at[_SC_BASE, :], base_v)
    wait_in(0, 0)
    compute(0)
    start_out(0, 0)
    start_in(2, 2)

    def loop_body(t, carry):
        for s in range(3):
            g = 3 * t + s + 1
            i = (s + 1) % 3
            jbuf = (i + 2) % 3
            wait_in(i, g)
            compute(i)
            start_out(i, g)
            wait_out(jbuf, g - 1)
            start_in(jbuf, g + 2)
        return carry

    lax.fori_loop(0, (_NCHUNK - 3) // 3, loop_body, 0)

    wait_in(1, _NCHUNK - 2)
    compute(1)
    start_out(1, _NCHUNK - 2)
    wait_out(0, _NCHUNK - 3)
    wait_in(2, _NCHUNK - 1)
    compute(2)
    start_out(2, _NCHUNK - 1)
    wait_out(1, _NCHUNK - 2)
    wait_out(2, _NCHUNK - 1)


def _sc_part(xr):
    k = functools.partial(
        pl.kernel,
        out_type=jax.ShapeDtypeStruct((_TOT_ROWS, _D), jnp.float32),
        mesh=plsc.VectorSubcoreMesh(core_axis_name="c", subcore_axis_name="s"),
        scratch_types=[
            pltpu.VMEM((_D,), jnp.float32),
            pltpu.VMEM((_C, _D), jnp.float32),
            pltpu.VMEM((_C, _D), jnp.float32),
            pltpu.VMEM((_C, _D), jnp.float32),
            pltpu.SemaphoreType.DMA,
            pltpu.SemaphoreType.DMA,
            pltpu.SemaphoreType.DMA,
            pltpu.SemaphoreType.DMA,
            pltpu.SemaphoreType.DMA,
            pltpu.SemaphoreType.DMA,
        ],
    )(_sc_body)
    return k(xr)


_CR = 512
_RING = 6
_PF = 4
_CPB = _OUT_ROWS // _CR
_NCH = _TC_ROWS // _CR


def _tcm_body(base_ref, x_hbm, scfull_hbm, o_hbm, *rest):
    del scfull_hbm
    bufs = rest[:_RING]
    isems = rest[_RING:2 * _RING]
    osems = rest[2 * _RING:3 * _RING]

    def in_row(g):
        return (g // _CPB) * _N + _BACK + (g % _CPB) * _CR

    def start_in(i, g):
        pltpu.async_copy(x_hbm.at[pl.ds(in_row(g), _CR), :], bufs[i], isems[i])

    def wait_in(i, g):
        pltpu.make_async_copy(
            x_hbm.at[pl.ds(in_row(g), _CR), :], bufs[i], isems[i]
        ).wait()

    def start_out(i, g):
        pltpu.async_copy(bufs[i], o_hbm.at[pl.ds(g * _CR, _CR), :], osems[i])

    def wait_out(i, g):
        pltpu.make_async_copy(
            bufs[i], o_hbm.at[pl.ds(g * _CR, _CR), :], osems[i]
        ).wait()

    def compute(i, g):
        bvec = base_ref[pl.ds(g // _CPB, 1), :]
        bufs[i][...] = bufs[i][...] - bvec

    for i in range(_PF):
        start_in(i, i)

    def loop_body(t, carry):
        for s in range(_RING):
            g = _RING * t + s
            wait_in(s, g)
            compute(s, g)
            start_out(s, g)
            nxt = (s + _PF) % _RING

            @pl.when(g + _PF < _NCH)
            def _():
                @pl.when(g >= _RING - _PF)
                def _():
                    wait_out(nxt, g + _PF - _RING)

                start_in(nxt, g + _PF)

        return carry

    lax.fori_loop(0, _NCH // _RING, loop_body, 0)

    for i in range(_RING):
        g = _NCH - _RING + i
        wait_out(g % _RING, g)


def _tc_part(xr, base, sc_full):
    return pl.pallas_call(
        _tcm_body,
        in_specs=[
            pl.BlockSpec(memory_space=pltpu.VMEM),
            pl.BlockSpec(memory_space=pl.ANY),
            pl.BlockSpec(memory_space=pl.ANY),
        ],
        out_specs=pl.BlockSpec(memory_space=pl.ANY),
        out_shape=jax.ShapeDtypeStruct((_TOT_ROWS, _D), jnp.float32),
        input_output_aliases={2: 0},
        scratch_shapes=(
            [pltpu.VMEM((_CR, _D), jnp.float32)] * _RING
            + [pltpu.SemaphoreType.DMA] * (2 * _RING)
        ),
    )(base, xr, sc_full)


def kernel(x):
    xr = x.reshape(_B * _N, _D)
    base = x[:, 0, :]
    sc_full = _sc_part(xr)
    out = _tc_part(xr, base, sc_full)
    return out.reshape(_B, _OUT_ROWS, _D)

# --- scband reference (transcript-rebuilt; emitter-appended) ---
"""Pipeline reference for scband-sample-part-layer-2336462209762 (READ-ONLY COPY).

The authoritative reference and input builder live on the scoring server;
editing this copy changes nothing except your own understanding.
"""

import jax, jax.numpy as jnp
import numpy as np

BACK = 1024
FORW = 7168
OFFSET = 0

def setup_inputs(seed: int = 0) -> dict:
    key = jax.random.key(seed)
    x = jax.random.normal(key, (4, 8192, 1024), dtype=jnp.float32)
    return {"x": x}

def reference(x):
    # x = x - x[:, offset].unsqueeze(1)
    x = x - x[:, OFFSET][:, None]
    # return x[:, back:forw]
    return x[:, BACK:FORW]

if __name__ == "__main__":
    import jax
    _d = setup_inputs()
    print(jax.jit(kernel)(*tuple(_d.values())))

</pallas_src>

<mosaic_0001>
#map = affine_map<(d0, d1) -> (0, 0)>
module attributes {stable_mosaic.version = 14 : i64} {
  func.func @_sc_body(%arg0: i32, %arg1: i32, %arg2: memref<32768x1024xf32, #tpu.memory_space<hbm>>, %arg3: memref<24576x1024xf32, #tpu.memory_space<hbm>>, %arg4: memref<1024xf32, #tpu.memory_space<vmem>>, %arg5: memref<32x1024xf32, #tpu.memory_space<vmem>>, %arg6: memref<32x1024xf32, #tpu.memory_space<vmem>>, %arg7: memref<32x1024xf32, #tpu.memory_space<vmem>>, %arg8: memref<!tpu.dma_semaphore, #tpu.memory_space<semaphore_mem>>, %arg9: memref<!tpu.dma_semaphore, #tpu.memory_space<semaphore_mem>>, %arg10: memref<!tpu.dma_semaphore, #tpu.memory_space<semaphore_mem>>, %arg11: memref<!tpu.dma_semaphore, #tpu.memory_space<semaphore_mem>>, %arg12: memref<!tpu.dma_semaphore, #tpu.memory_space<semaphore_mem>>, %arg13: memref<!tpu.dma_semaphore, #tpu.memory_space<semaphore_mem>>) attributes {dimension_semantics = [#tpu.dimension_semantics<core_parallel>, #tpu.dimension_semantics<subcore_parallel>], iteration_bounds = array<i64: 2, 16>, scalar_prefetch = 0 : i64, scratch_operands = 10 : i64, tpu.core_type = #tpu.core_type<sc_vector_subcore>, window_params = [{transform_indices = #map}, {transform_indices = #map}]} {
    %mul3A = arith.constant 2 : i32
    %mul3A_0 = arith.muli %arg1, %mul3A : i32
    %add3A = arith.addi %mul3A_0, %arg0 : i32
    %mul3A_1 = arith.constant 96 : i32
    %mul3A_2 = arith.muli %add3A, %mul3A_1 : i32
    %add3A_3 = arith.constant 28672 : i32
    %add3A_4 = arith.addi %add3A_3, %mul3A_2 : i32
    %mul3A_5 = arith.constant 96 : i32
    %mul3A_6 = arith.muli %add3A, %mul3A_5 : i32
    %add3A_7 = arith.constant 21504 : i32
    %add3A_8 = arith.addi %add3A_7, %mul3A_6 : i32
    %add3A_9 = arith.constant 0 : i32
    %add3A_10 = arith.addi %add3A_4, %add3A_9 : i32
    %dma_start3A = arith.constant 0 : i32
    %dma_start3A_11 = tpu.memref_slice %arg2[%add3A_10, %dma_start3A] : memref<32768x1024xf32, #tpu.memory_space<hbm>> -> memref<32x1024xf32, #tpu.memory_space<hbm>>
    %dma_start3A_12 = arith.constant 0 : i32
    %dma_start3A_13 = tpu.memref_slice %arg2[%add3A_10, %dma_start3A_12] : memref<32768x1024xf32, #tpu.memory_space<hbm>> -> memref<32x1024xf32, #tpu.memory_space<hbm>>
    tpu.enqueue_dma source(%dma_start3A_13 : memref<32x1024xf32, #tpu.memory_space<hbm>>) target(%arg5 : memref<32x1024xf32, #tpu.memory_space<vmem>>) target_semaphore(%arg8 : memref<!tpu.dma_semaphore, #tpu.memory_space<semaphore_mem>>)
    %add3A_14 = arith.constant 32 : i32
    %add3A_15 = arith.addi %add3A_4, %add3A_14 : i32
    %dma_start3A_16 = arith.constant 0 : i32
    %dma_start3A_17 = tpu.memref_slice %arg2[%add3A_15, %dma_start3A_16] : memref<32768x1024xf32, #tpu.memory_space<hbm>> -> memref<32x1024xf32, #tpu.memory_space<hbm>>
    %dma_start3A_18 = arith.constant 0 : i32
    %dma_start3A_19 = tpu.memref_slice %arg2[%add3A_15, %dma_start3A_18] : memref<32768x1024xf32, #tpu.memory_space<hbm>> -> memref<32x1024xf32, #tpu.memory_space<hbm>>
    tpu.enqueue_dma source(%dma_start3A_19 : memref<32x1024xf32, #tpu.memory_space<hbm>>) target(%arg6 : memref<32x1024xf32, #tpu.memory_space<vmem>>) target_semaphore(%arg9 : memref<!tpu.dma_semaphore, #tpu.memory_space<semaphore_mem>>)
    %run_scoped3A = arith.constant 24576 : i32
    "tpu.region"() ({
      %run_scoped3A_101 = tpu.sem_alloc : memref<!tpu.dma_semaphore, #tpu.memory_space<semaphore_mem>>
      %dma_start3A_102 = arith.constant 0 : i32
      %dma_start3A_103 = tpu.memref_slice %arg2[%run_scoped3A, %dma_start3A_102] : memref<32768x1024xf32, #tpu.memory_space<hbm>> -> memref<1x1024xf32, #tpu.memory_space<hbm>>
      %dma_start3A_104 = tpu.memref_squeeze %dma_start3A_103 : memref<1x1024xf32, #tpu.memory_space<hbm>> -> memref<1024xf32, #tpu.memory_space<hbm>>
      %dma_start3A_105 = arith.constant 0 : i32
      %dma_start3A_106 = tpu.memref_slice %arg2[%run_scoped3A, %dma_start3A_105] : memref<32768x1024xf32, #tpu.memory_space<hbm>> -> memref<1x1024xf32, #tpu.memory_space<hbm>>
      %dma_start3A_107 = tpu.memref_squeeze %dma_start3A_106 : memref<1x1024xf32, #tpu.memory_space<hbm>> -> memref<1024xf32, #tpu.memory_space<hbm>>
      tpu.enqueue_dma source(%dma_start3A_107 : memref<1024xf32, #tpu.memory_space<hbm>>) target(%arg4 : memref<1024xf32, #tpu.memory_space<vmem>>) target_semaphore(%run_scoped3A_101 : memref<!tpu.dma_semaphore, #tpu.memory_space<semaphore_mem>>)
      %dma_wait3A_108 = arith.constant 0 : i32
      %dma_wait3A_109 = tpu.memref_slice %arg2[%run_scoped3A, %dma_wait3A_108] : memref<32768x1024xf32, #tpu.memory_space<hbm>> -> memref<1x1024xf32, #tpu.memory_space<hbm>>
      %dma_wait3A_110 = tpu.memref_squeeze %dma_wait3A_109 : memref<1x1024xf32, #tpu.memory_space<hbm>> -> memref<1024xf32, #tpu.memory_space<hbm>>
      %dma_wait3A_111 = arith.constant 0 : i32
      %dma_wait3A_112 = tpu.memref_slice %arg2[%run_scoped3A, %dma_wait3A_111] : memref<32768x1024xf32, #tpu.memory_space<hbm>> -> memref<1x1024xf32, #tpu.memory_space<hbm>>
      %dma_wait3A_113 = tpu.memref_squeeze %dma_wait3A_112 : memref<1x1024xf32, #tpu.memory_space<hbm>> -> memref<1024xf32, #tpu.memory_space<hbm>>
      tpu.wait_dma2 semaphore(%run_scoped3A_101 : memref<!tpu.dma_semaphore, #tpu.memory_space<semaphore_mem>>) src(%dma_wait3A_113 : memref<1024xf32, #tpu.memory_space<hbm>>) dst(%arg4 : memref<1024xf32, #tpu.memory_space<vmem>>)
      tpu.yield
    }) : () -> ()
    %add3A_20 = arith.constant 0 : i32
    %add3A_21 = arith.addi %add3A_4, %add3A_20 : i32
    %dma_wait3A = arith.constant 0 : i32
    %dma_wait3A_22 = tpu.memref_slice %arg2[%add3A_21, %dma_wait3A] : memref<32768x1024xf32, #tpu.memory_space<hbm>> -> memref<32x1024xf32, #tpu.memory_space<hbm>>
    %dma_wait3A_23 = arith.constant 0 : i32
    %dma_wait3A_24 = tpu.memref_slice %arg2[%add3A_21, %dma_wait3A_23] : memref<32768x1024xf32, #tpu.memory_space<hbm>> -> memref<32x1024xf32, #tpu.memory_space<hbm>>
    tpu.wait_dma2 semaphore(%arg8 : memref<!tpu.dma_semaphore, #tpu.memory_space<semaphore_mem>>) src(%dma_wait3A_24 : memref<32x1024xf32, #tpu.memory_space<hbm>>) dst(%arg5 : memref<32x1024xf32, #tpu.memory_space<vmem>>)
    %scan3A = arith.constant 0 : i32
    %scan3A_25 = arith.constant 0 : i32
    %scan3A_26 = arith.constant 64 : i32
    %scan3A_27 = arith.addi %scan3A_25, %scan3A_26 : i32
    %scan3A_28 = arith.constant 1 : i32
    scf.for %scan3A_101 = %scan3A_25 to %scan3A_27 step %scan3A_28  : i32 {
      %mul3A_102 = arith.constant 16 : i32
      %mul3A_103 = arith.muli %scan3A_101, %mul3A_102 : i32
      %get3A = arith.index_cast %mul3A_103 : i32 to index
      %get3A_104 = tpu.vector_load %arg4[%get3A] {strides = array<i32>} : memref<1024xf32, #tpu.memory_space<vmem>>, vector<16xf32>,
      %get3A_105 = vector.shape_cast %get3A_104 : vector<16xf32> to vector<16xf32>
      %parallel_loop3A = arith.constant 0 : i32
      %parallel_loop3A_106 = arith.constant 32 : i32
      %parallel_loop3A_107 = arith.constant 1 : i32
      scf.for %parallel_loop3A_108 = %parallel_loop3A to %parallel_loop3A_106 step %parallel_loop3A_107  : i32 {
        %parallel_loop3A_109 = arith.index_cast %parallel_loop3A_108 : i32 to index
        %parallel_loop3A_110 = arith.index_cast %mul3A_103 : i32 to index
        %parallel_loop3A_111 = tpu.vector_load %arg5[%parallel_loop3A_109, %parallel_loop3A_110] {strides = array<i32>} : memref<32x1024xf32, #tpu.memory_space<vmem>>, vector<1x16xf32>,
        %parallel_loop3A_112 = vector.shape_cast %parallel_loop3A_111 : vector<1x16xf32> to vector<16xf32>
        %parallel_loop3A_113 = arith.subf %parallel_loop3A_112, %get3A_105 : vector<16xf32>
        %parallel_loop3A_114 = arith.index_cast %parallel_loop3A_108 : i32 to index
        %parallel_loop3A_115 = arith.index_cast %mul3A_103 : i32 to index
        %parallel_loop3A_116 = tpu.vector_load %arg5[%parallel_loop3A_114, %parallel_loop3A_115] {strides = array<i32>} : memref<32x1024xf32, #tpu.memory_space<vmem>>, vector<1x16xf32>,
        %parallel_loop3A_117 = vector.shape_cast %parallel_loop3A_116 : vector<1x16xf32> to vector<16xf32>
        %parallel_loop3A_118 = vector.shape_cast %parallel_loop3A_113 : vector<16xf32> to vector<1x16xf32>
        tpu.vector_store %arg5[%parallel_loop3A_114, %parallel_loop3A_115], %parallel_loop3A_118 {strides = array<i32>} : memref<32x1024xf32, #tpu.memory_space<vmem>>, vector<1x16xf32>,
      } {sc.loop_unroll_factor = 8 : i64, sc.parallel_access}
    }
    %scan3A_29 = arith.constant 64 : i32
    %add3A_30 = arith.constant 0 : i32
    %add3A_31 = arith.addi %add3A_8, %add3A_30 : i32
    %dma_start3A_32 = arith.constant 0 : i32
    %dma_start3A_33 = tpu.memref_slice %arg3[%add3A_31, %dma_start3A_32] : memref<24576x1024xf32, #tpu.memory_space<hbm>> -> memref<32x1024xf32, #tpu.memory_space<hbm>>
    %dma_start3A_34 = arith.constant 0 : i32
    %dma_start3A_35 = tpu.memref_slice %arg3[%add3A_31, %dma_start3A_34] : memref<24576x1024xf32, #tpu.memory_space<hbm>> -> memref<32x1024xf32, #tpu.memory_space<hbm>>
    tpu.enqueue_dma source(%arg5 : memref<32x1024xf32, #tpu.memory_space<vmem>>) target(%dma_start3A_35 : memref<32x1024xf32, #tpu.memory_space<hbm>>) target_semaphore(%arg11 : memref<!tpu.dma_semaphore, #tpu.memory_space<semaphore_mem>>)
    %add3A_36 = arith.constant 64 : i32
    %add3A_37 = arith.addi %add3A_4, %add3A_36 : i32
    %dma_start3A_38 = arith.constant 0 : i32
    %dma_start3A_39 = tpu.memref_slice %arg2[%add3A_37, %dma_start3A_38] : memref<32768x1024xf32, #tpu.memory_space<hbm>> -> memref<32x1024xf32, #tpu.memory_space<hbm>>
    %dma_start3A_40 = arith.constant 0 : i32
    %dma_start3A_41 = tpu.memref_slice %arg2[%add3A_37, %dma_start3A_40] : memref<32768x1024xf32, #tpu.memory_space<hbm>> -> memref<32x1024xf32, #tpu.memory_space<hbm>>
    tpu.enqueue_dma source(%dma_start3A_41 : memref<32x1024xf32, #tpu.memory_space<hbm>>) target(%arg7 : memref<32x1024xf32, #tpu.memory_space<vmem>>) target_semaphore(%arg10 : memref<!tpu.dma_semaphore, #tpu.memory_space<semaphore_mem>>)
    %scan3A_42 = arith.constant 0 : i32
    %scan3A_43 = arith.constant 0 : i32
    %scan3A_44 = arith.constant 0 : i32
    %scan3A_45 = arith.addi %scan3A_43, %scan3A_44 : i32
    %scan3A_46 = arith.constant 0 : i32
    %add3A_47 = arith.constant 32 : i32
    %add3A_48 = arith.addi %add3A_4, %add3A_47 : i32
    %dma_wait3A_49 = arith.constant 0 : i32
    %dma_wait3A_50 = tpu.memref_slice %arg2[%add3A_48, %dma_wait3A_49] : memref<32768x1024xf32, #tpu.memory_space<hbm>> -> memref<32x1024xf32, #tpu.memory_space<hbm>>
    %dma_wait3A_51 = arith.constant 0 : i32
    %dma_wait3A_52 = tpu.memref_slice %arg2[%add3A_48, %dma_wait3A_51] : memref<32768x1024xf32, #tpu.memory_space<hbm>> -> memref<32x1024xf32, #tpu.memory_space<hbm>>
    tpu.wait_dma2 semaphore(%arg9 : memref<!tpu.dma_semaphore, #tpu.memory_space<semaphore_mem>>) src(%dma_wait3A_52 : memref<32x1024xf32, #tpu.memory_space<hbm>>) dst(%arg6 : memref<32x1024xf32, #tpu.memory_space<vmem>>)
    %scan3A_53 = arith.constant 0 : i32
    %scan3A_54 = arith.constant 0 : i32
    %scan3A_55 = arith.constant 64 : i32
    %scan3A_56 = arith.addi %scan3A_54, %scan3A_55 : i32
    %scan3A_57 = arith.constant 1 : i32
    scf.for %scan3A_101 = %scan3A_54 to %scan3A_56 step %scan3A_57  : i32 {
      %mul3A_102 = arith.constant 16 : i32
      %mul3A_103 = arith.muli %scan3A_101, %mul3A_102 : i32
      %get3A = arith.index_cast %mul3A_103 : i32 to index
      %get3A_104 = tpu.vector_load %arg4[%get3A] {strides = array<i32>} : memref<1024xf32, #tpu.memory_space<vmem>>, vector<16xf32>,
      %get3A_105 = vector.shape_cast %get3A_104 : vector<16xf32> to vector<16xf32>
      %parallel_loop3A = arith.constant 0 : i32
      %parallel_loop3A_106 = arith.constant 32 : i32
      %parallel_loop3A_107 = arith.constant 1 : i32
      scf.for %parallel_loop3A_108 = %parallel_loop3A to %parallel_loop3A_106 step %parallel_loop3A_107  : i32 {
        %parallel_loop3A_109 = arith.index_cast %parallel_loop3A_108 : i32 to index
        %parallel_loop3A_110 = arith.index_cast %mul3A_103 : i32 to index
        %parallel_loop3A_111 = tpu.vector_load %arg6[%parallel_loop3A_109, %parallel_loop3A_110] {strides = array<i32>} : memref<32x1024xf32, #tpu.memory_space<vmem>>, vector<1x16xf32>,
        %parallel_loop3A_112 = vector.shape_cast %parallel_loop3A_111 : vector<1x16xf32> to vector<16xf32>
        %parallel_loop3A_113 = arith.subf %parallel_loop3A_112, %get3A_105 : vector<16xf32>
        %parallel_loop3A_114 = arith.index_cast %parallel_loop3A_108 : i32 to index
        %parallel_loop3A_115 = arith.index_cast %mul3A_103 : i32 to index
        %parallel_loop3A_116 = tpu.vector_load %arg6[%parallel_loop3A_114, %parallel_loop3A_115] {strides = array<i32>} : memref<32x1024xf32, #tpu.memory_space<vmem>>, vector<1x16xf32>,
        %parallel_loop3A_117 = vector.shape_cast %parallel_loop3A_116 : vector<1x16xf32> to vector<16xf32>
        %parallel_loop3A_118 = vector.shape_cast %parallel_loop3A_113 : vector<16xf32> to vector<1x16xf32>
        tpu.vector_store %arg6[%parallel_loop3A_114, %parallel_loop3A_115], %parallel_loop3A_118 {strides = array<i32>} : memref<32x1024xf32, #tpu.memory_space<vmem>>, vector<1x16xf32>,
      } {sc.loop_unroll_factor = 8 : i64, sc.parallel_access}
    }
    %scan3A_58 = arith.constant 64 : i32
    %add3A_59 = arith.constant 32 : i32
    %add3A_60 = arith.addi %add3A_8, %add3A_59 : i32
    %dma_start3A_61 = arith.constant 0 : i32
    %dma_start3A_62 = tpu.memref_slice %arg3[%add3A_60, %dma_start3A_61] : memref<24576x1024xf32, #tpu.memory_space<hbm>> -> memref<32x1024xf32, #tpu.memory_space<hbm>>
    %dma_start3A_63 = arith.constant 0 : i32
    %dma_start3A_64 = tpu.memref_slice %arg3[%add3A_60, %dma_start3A_63] : memref<24576x1024xf32, #tpu.memory_space<hbm>> -> memref<32x1024xf32, #tpu.memory_space<hbm>>
    tpu.enqueue_dma source(%arg6 : memref<32x1024xf32, #tpu.memory_space<vmem>>) target(%dma_start3A_64 : memref<32x1024xf32, #tpu.memory_space<hbm>>) target_semaphore(%arg12 : memref<!tpu.dma_semaphore, #tpu.memory_space<semaphore_mem>>)
    %add3A_65 = arith.constant 0 : i32
    %add3A_66 = arith.addi %add3A_8, %add3A_65 : i32
    %dma_wait3A_67 = arith.constant 0 : i32
    %dma_wait3A_68 = tpu.memref_slice %arg3[%add3A_66, %dma_wait3A_67] : memref<24576x1024xf32, #tpu.memory_space<hbm>> -> memref<32x1024xf32, #tpu.memory_space<hbm>>
    %dma_wait3A_69 = arith.constant 0 : i32
    %dma_wait3A_70 = tpu.memref_slice %arg3[%add3A_66, %dma_wait3A_69] : memref<24576x1024xf32, #tpu.memory_space<hbm>> -> memref<32x1024xf32, #tpu.memory_space<hbm>>
    tpu.wait_dma2 semaphore(%arg11 : memref<!tpu.dma_semaphore, #tpu.memory_space<semaphore_mem>>) src(%arg5 : memref<32x1024xf32, #tpu.memory_space<vmem>>) dst(%dma_wait3A_70 : memref<32x1024xf32, #tpu.memory_space<hbm>>)
    %add3A_71 = arith.constant 64 : i32
    %add3A_72 = arith.addi %add3A_4, %add3A_71 : i32
    %dma_wait3A_73 = arith.constant 0 : i32
    %dma_wait3A_74 = tpu.memref_slice %arg2[%add3A_72, %dma_wait3A_73] : memref<32768x1024xf32, #tpu.memory_space<hbm>> -> memref<32x1024xf32, #tpu.memory_space<hbm>>
    %dma_wait3A_75 = arith.constant 0 : i32
    %dma_wait3A_76 = tpu.memref_slice %arg2[%add3A_72, %dma_wait3A_75] : memref<32768x1024xf32, #tpu.memory_space<hbm>> -> memref<32x1024xf32, #tpu.memory_space<hbm>>
    tpu.wait_dma2 semaphore(%arg10 : memref<!tpu.dma_semaphore, #tpu.memory_space<semaphore_mem>>) src(%dma_wait3A_76 : memref<32x1024xf32, #tpu.memory_space<hbm>>) dst(%arg7 : memref<32x1024xf32, #tpu.memory_space<vmem>>)
    %scan3A_77 = arith.constant 0 : i32
    %scan3A_78 = arith.constant 0 : i32
    %scan3A_79 = arith.constant 64 : i32
    %scan3A_80 = arith.addi %scan3A_78, %scan3A_79 : i32
    %scan3A_81 = arith.constant 1 : i32
    scf.for %scan3A_101 = %scan3A_78 to %scan3A_80 step %scan3A_81  : i32 {
      %mul3A_102 = arith.constant 16 : i32
      %mul3A_103 = arith.muli %scan3A_101, %mul3A_102 : i32
      %get3A = arith.index_cast %mul3A_103 : i32 to index
      %get3A_104 = tpu.vector_load %arg4[%get3A] {strides = array<i32>} : memref<1024xf32, #tpu.memory_space<vmem>>, vector<16xf32>,
      %get3A_105 = vector.shape_cast %get3A_104 : vector<16xf32> to vector<16xf32>
      %parallel_loop3A = arith.constant 0 : i32
      %parallel_loop3A_106 = arith.constant 32 : i32
      %parallel_loop3A_107 = arith.constant 1 : i32
      scf.for %parallel_loop3A_108 = %parallel_loop3A to %parallel_loop3A_106 step %parallel_loop3A_107  : i32 {
        %parallel_loop3A_109 = arith.index_cast %parallel_loop3A_108 : i32 to index
        %parallel_loop3A_110 = arith.index_cast %mul3A_103 : i32 to index
        %parallel_loop3A_111 = tpu.vector_load %arg7[%parallel_loop3A_109, %parallel_loop3A_110] {strides = array<i32>} : memref<32x1024xf32, #tpu.memory_space<vmem>>, vector<1x16xf32>,
        %parallel_loop3A_112 = vector.shape_cast %parallel_loop3A_111 : vector<1x16xf32> to vector<16xf32>
        %parallel_loop3A_113 = arith.subf %parallel_loop3A_112, %get3A_105 : vector<16xf32>
        %parallel_loop3A_114 = arith.index_cast %parallel_loop3A_108 : i32 to index
        %parallel_loop3A_115 = arith.index_cast %mul3A_103 : i32 to index
        %parallel_loop3A_116 = tpu.vector_load %arg7[%parallel_loop3A_114, %parallel_loop3A_115] {strides = array<i32>} : memref<32x1024xf32, #tpu.memory_space<vmem>>, vector<1x16xf32>,
        %parallel_loop3A_117 = vector.shape_cast %parallel_loop3A_116 : vector<1x16xf32> to vector<16xf32>
        %parallel_loop3A_118 = vector.shape_cast %parallel_loop3A_113 : vector<16xf32> to vector<1x16xf32>
        tpu.vector_store %arg7[%parallel_loop3A_114, %parallel_loop3A_115], %parallel_loop3A_118 {strides = array<i32>} : memref<32x1024xf32, #tpu.memory_space<vmem>>, vector<1x16xf32>,
      } {sc.loop_unroll_factor = 8 : i64, sc.parallel_access}
    }
    %scan3A_82 = arith.constant 64 : i32
    %add3A_83 = arith.constant 64 : i32
    %add3A_84 = arith.addi %add3A_8, %add3A_83 : i32
    %dma_start3A_85 = arith.constant 0 : i32
    %dma_start3A_86 = tpu.memref_slice %arg3[%add3A_84, %dma_start3A_85] : memref<24576x1024xf32, #tpu.memory_space<hbm>> -> memref<32x1024xf32, #tpu.memory_space<hbm>>
    %dma_start3A_87 = arith.constant 0 : i32
    %dma_start3A_88 = tpu.memref_slice %arg3[%add3A_84, %dma_start3A_87] : memref<24576x1024xf32, #tpu.memory_space<hbm>> -> memref<32x1024xf32, #tpu.memory_space<hbm>>
    tpu.enqueue_dma source(%arg7 : memref<32x1024xf32, #tpu.memory_space<vmem>>) target(%dma_start3A_88 : memref<32x1024xf32, #tpu.memory_space<hbm>>) target_semaphore(%arg13 : memref<!tpu.dma_semaphore, #tpu.memory_space<semaphore_mem>>)
    %add3A_89 = arith.constant 32 : i32
    %add3A_90 = arith.addi %add3A_8, %add3A_89 : i32
    %dma_wait3A_91 = arith.constant 0 : i32
    %dma_wait3A_92 = tpu.memref_slice %arg3[%add3A_90, %dma_wait3A_91] : memref<24576x1024xf32, #tpu.memory_space<hbm>> -> memref<32x1024xf32, #tpu.memory_space<hbm>>
    %dma_wait3A_93 = arith.constant 0 : i32
    %dma_wait3A_94 = tpu.memref_slice %arg3[%add3A_90, %dma_wait3A_93] : memref<24576x1024xf32, #tpu.memory_space<hbm>> -> memref<32x1024xf32, #tpu.memory_space<hbm>>
    tpu.wait_dma2 semaphore(%arg12 : memref<!tpu.dma_semaphore, #tpu.memory_space<semaphore_mem>>) src(%arg6 : memref<32x1024xf32, #tpu.memory_space<vmem>>) dst(%dma_wait3A_94 : memref<32x1024xf32, #tpu.memory_space<hbm>>)
    %add3A_95 = arith.constant 64 : i32
    %add3A_96 = arith.addi %add3A_8, %add3A_95 : i32
    %dma_wait3A_97 = arith.constant 0 : i32
    %dma_wait3A_98 = tpu.memref_slice %arg3[%add3A_96, %dma_wait3A_97] : memref<24576x1024xf32, #tpu.memory_space<hbm>> -> memref<32x1024xf32, #tpu.memory_space<hbm>>
    %dma_wait3A_99 = arith.constant 0 : i32
    %dma_wait3A_100 = tpu.memref_slice %arg3[%add3A_96, %dma_wait3A_99] : memref<24576x1024xf32, #tpu.memory_space<hbm>> -> memref<32x1024xf32, #tpu.memory_space<hbm>>
    tpu.wait_dma2 semaphore(%arg13 : memref<!tpu.dma_semaphore, #tpu.memory_space<semaphore_mem>>) src(%arg7 : memref<32x1024xf32, #tpu.memory_space<vmem>>) dst(%dma_wait3A_100 : memref<32x1024xf32, #tpu.memory_space<hbm>>)
    return
  }
}

module attributes {stable_mosaic.version = 14 : i64} {
  func.func @_tcm_body(%arg0: memref<4x1024xf32, #tpu.memory_space<vmem>>, %arg1: memref<32768x1024xf32, #tpu.memory_space<any>>, %arg2: memref<24576x1024xf32, #tpu.memory_space<any>>, %arg3: memref<24576x1024xf32, #tpu.memory_space<any>>, %arg4: memref<512x1024xf32, #tpu.memory_space<vmem>>, %arg5: memref<512x1024xf32, #tpu.memory_space<vmem>>, %arg6: memref<512x1024xf32, #tpu.memory_space<vmem>>, %arg7: memref<512x1024xf32, #tpu.memory_space<vmem>>, %arg8: memref<512x1024xf32, #tpu.memory_space<vmem>>, %arg9: memref<512x1024xf32, #tpu.memory_space<vmem>>, %arg10: memref<!tpu.dma_semaphore, #tpu.memory_space<semaphore_mem>>, %arg11: memref<!tpu.dma_semaphore, #tpu.memory_space<semaphore_mem>>, %arg12: memref<!tpu.dma_semaphore, #tpu.memory_space<semaphore_mem>>, %arg13: memref<!tpu.dma_semaphore, #tpu.memory_space<semaphore_mem>>, %arg14: memref<!tpu.dma_semaphore, #tpu.memory_space<semaphore_mem>>, %arg15: memref<!tpu.dma_semaphore, #tpu.memory_space<semaphore_mem>>, %arg16: memref<!tpu.dma_semaphore, #tpu.memory_space<semaphore_mem>>, %arg17: memref<!tpu.dma_semaphore, #tpu.memory_space<semaphore_mem>>, %arg18: memref<!tpu.dma_semaphore, #tpu.memory_space<semaphore_mem>>, %arg19: memref<!tpu.dma_semaphore, #tpu.memory_space<semaphore_mem>>, %arg20: memref<!tpu.dma_semaphore, #tpu.memory_space<semaphore_mem>>, %arg21: memref<!tpu.dma_semaphore, #tpu.memory_space<semaphore_mem>>) attributes {dimension_semantics = [], scalar_prefetch = 0 : i64, scratch_operands = 18 : i64, tpu.core_type = #tpu.core_type<tc>} {
    %dma_start3A = arith.constant 1024 : i32
    %dma_start3A_0 = arith.constant 0 : i32
    %dma_start3A_1 = tpu.memref_slice %arg1[%dma_start3A, %dma_start3A_0] : memref<32768x1024xf32, #tpu.memory_space<any>> -> memref<512x1024xf32, #tpu.memory_space<any>>
    tpu.enqueue_dma source(%dma_start3A_1 : memref<512x1024xf32, #tpu.memory_space<any>>) target(%arg4 : memref<512x1024xf32, #tpu.memory_space<vmem>>) target_semaphore(%arg10 : memref<!tpu.dma_semaphore, #tpu.memory_space<semaphore_mem>>)
    %dma_start3A_2 = arith.constant 1536 : i32
    %dma_start3A_3 = arith.constant 0 : i32
    %dma_start3A_4 = tpu.memref_slice %arg1[%dma_start3A_2, %dma_start3A_3] : memref<32768x1024xf32, #tpu.memory_space<any>> -> memref<512x1024xf32, #tpu.memory_space<any>>
    tpu.enqueue_dma source(%dma_start3A_4 : memref<512x1024xf32, #tpu.memory_space<any>>) target(%arg5 : memref<512x1024xf32, #tpu.memory_space<vmem>>) target_semaphore(%arg11 : memref<!tpu.dma_semaphore, #tpu.memory_space<semaphore_mem>>)
    %dma_start3A_5 = arith.constant 2048 : i32
    %dma_start3A_6 = arith.constant 0 : i32
    %dma_start3A_7 = tpu.memref_slice %arg1[%dma_start3A_5, %dma_start3A_6] : memref<32768x1024xf32, #tpu.memory_space<any>> -> memref<512x1024xf32, #tpu.memory_space<any>>
    tpu.enqueue_dma source(%dma_start3A_7 : memref<512x1024xf32, #tpu.memory_space<any>>) target(%arg6 : memref<512x1024xf32, #tpu.memory_space<vmem>>) target_semaphore(%arg12 : memref<!tpu.dma_semaphore, #tpu.memory_space<semaphore_mem>>)
    %dma_start3A_8 = arith.constant 2560 : i32
    %dma_start3A_9 = arith.constant 0 : i32
    %dma_start3A_10 = tpu.memref_slice %arg1[%dma_start3A_8, %dma_start3A_9] : memref<32768x1024xf32, #tpu.memory_space<any>> -> memref<512x1024xf32, #tpu.memory_space<any>>
    tpu.enqueue_dma source(%dma_start3A_10 : memref<512x1024xf32, #tpu.memory_space<any>>) target(%arg7 : memref<512x1024xf32, #tpu.memory_space<vmem>>) target_semaphore(%arg13 : memref<!tpu.dma_semaphore, #tpu.memory_space<semaphore_mem>>)
    %scan3A = arith.constant 0 : i32
    %scan3A_11 = arith.constant 7 : i32
    %scan3A_12 = arith.addi %scan3A, %scan3A_11 : i32
    %scan3A_13 = arith.constant 1 : i32
    scf.for %scan3A_32 = %scan3A to %scan3A_12 step %scan3A_13  : i32 {
      %mul3A = arith.constant 6 : i32
      %mul3A_33 = arith.muli %mul3A, %scan3A_32 : i32
      %add3A = arith.constant 0 : i32
      %add3A_34 = arith.addi %mul3A_33, %add3A : i32
      %jit3A = arith.constant 12 : i32
      %div3A = arith.divsi %add3A_34, %jit3A : i32
      %sign3A = arith.constant 0 : i32
      %sign3A_35 = arith.cmpi sgt, %add3A_34, %sign3A : i32
      %sign3A_36 = arith.extui %sign3A_35 : i1 to i32
      %sign3A_37 = arith.constant 0 : i32
      %sign3A_38 = arith.cmpi slt, %add3A_34, %sign3A_37 : i32
      %sign3A_39 = arith.extui %sign3A_38 : i1 to i32
      %sign3A_40 = arith.subi %sign3A_36, %sign3A_39 : i32
      %sign3A_41 = arith.constant 0 : i32
      %sign3A_42 = arith.cmpi sgt, %jit3A, %sign3A_41 : i32
      %sign3A_43 = arith.extui %sign3A_42 : i1 to i32
      %sign3A_44 = arith.constant 0 : i32
      %sign3A_45 = arith.cmpi slt, %jit3A, %sign3A_44 : i32
      %sign3A_46 = arith.extui %sign3A_45 : i1 to i32
      %sign3A_47 = arith.subi %sign3A_43, %sign3A_46 : i32
      %ne3A = arith.cmpi ne, %sign3A_40, %sign3A_47 : i32
      %rem3A = arith.remsi %add3A_34, %jit3A : i32
      %ne3A_48 = arith.constant 0 : i32
      %ne3A_49 = arith.cmpi ne, %rem3A, %ne3A_48 : i32
      %and3A = arith.andi %ne3A, %ne3A_49 : i1
      %sub3A = arith.constant 1 : i32
      %sub3A_50 = arith.subi %div3A, %sub3A : i32
      %select_n3A = arith.select %and3A, %sub3A_50, %div3A : i32
      %mul3A_51 = arith.constant 8192 : i32
      %mul3A_52 = arith.muli %select_n3A, %mul3A_51 : i32
      %add3A_53 = arith.constant 1024 : i32
      %add3A_54 = arith.addi %mul3A_52, %add3A_53 : i32
      %jit3A_55 = arith.constant 12 : i32
      %eq3A = arith.constant 0 : i32
      %eq3A_56 = arith.cmpi eq, %jit3A_55, %eq3A : i32
      %jit3A_57 = arith.constant 1 : i32
      %select_n3A_58 = arith.select %eq3A_56, %jit3A_57, %jit3A_55 : i32
      %rem3A_59 = arith.remsi %add3A_34, %select_n3A_58 : i32
      %ne3A_60 = arith.constant 0 : i32
      %ne3A_61 = arith.cmpi ne, %rem3A_59, %ne3A_60 : i32
      %lt3A = arith.constant 0 : i32
      %lt3A_62 = arith.cmpi slt, %rem3A_59, %lt3A : i32
      %lt3A_63 = arith.constant 0 : i32
      %lt3A_64 = arith.cmpi slt, %select_n3A_58, %lt3A_63 : i32
      %ne3A_65 = arith.xori %lt3A_62, %lt3A_64 : i1
      %and3A_66 = arith.andi %ne3A_65, %ne3A_61 : i1
      %add3A_67 = arith.addi %rem3A_59, %select_n3A_58 : i32
      %select_n3A_68 = arith.select %and3A_66, %add3A_67, %rem3A_59 : i32
      %mul3A_69 = arith.constant 512 : i32
      %mul3A_70 = arith.muli %select_n3A_68, %mul3A_69 : i32
      %add3A_71 = arith.addi %add3A_54, %mul3A_70 : i32
      %dma_wait3A_72 = arith.constant 0 : i32
      %dma_wait3A_73 = tpu.memref_slice %arg1[%add3A_71, %dma_wait3A_72] : memref<32768x1024xf32, #tpu.memory_space<any>> -> memref<512x1024xf32, #tpu.memory_space<any>>
      tpu.wait_dma2 semaphore(%arg10 : memref<!tpu.dma_semaphore, #tpu.memory_space<semaphore_mem>>) src(%dma_wait3A_73 : memref<512x1024xf32, #tpu.memory_space<any>>) dst(%arg4 : memref<512x1024xf32, #tpu.memory_space<vmem>>)
      %jit3A_74 = arith.constant 12 : i32
      %div3A_75 = arith.divsi %add3A_34, %jit3A_74 : i32
      %sign3A_76 = arith.constant 0 : i32
      %sign3A_77 = arith.cmpi sgt, %add3A_34, %sign3A_76 : i32
      %sign3A_78 = arith.extui %sign3A_77 : i1 to i32
      %sign3A_79 = arith.constant 0 : i32
      %sign3A_80 = arith.cmpi slt, %add3A_34, %sign3A_79 : i32
      %sign3A_81 = arith.extui %sign3A_80 : i1 to i32
      %sign3A_82 = arith.subi %sign3A_78, %sign3A_81 : i32
      %sign3A_83 = arith.constant 0 : i32
      %sign3A_84 = arith.cmpi sgt, %jit3A_74, %sign3A_83 : i32
      %sign3A_85 = arith.extui %sign3A_84 : i1 to i32
      %sign3A_86 = arith.constant 0 : i32
      %sign3A_87 = arith.cmpi slt, %jit3A_74, %sign3A_86 : i32
      %sign3A_88 = arith.extui %sign3A_87 : i1 to i32
      %sign3A_89 = arith.subi %sign3A_85, %sign3A_88 : i32
      %ne3A_90 = arith.cmpi ne, %sign3A_82, %sign3A_89 : i32
      %rem3A_91 = arith.remsi %add3A_34, %jit3A_74 : i32
      %ne3A_92 = arith.constant 0 : i32
      %ne3A_93 = arith.cmpi ne, %rem3A_91, %ne3A_92 : i32
      %and3A_94 = arith.andi %ne3A_90, %ne3A_93 : i1
      %sub3A_95 = arith.constant 1 : i32
      %sub3A_96 = arith.subi %div3A_75, %sub3A_95 : i32
      %select_n3A_97 = arith.select %and3A_94, %sub3A_96, %div3A_75 : i32
      %get3A = arith.index_cast %select_n3A_97 : i32 to index
      %get3A_98 = arith.constant 0 : index
      %get3A_99 = vector.load %arg0[%get3A, %get3A_98] : memref<4x1024xf32, #tpu.memory_space<vmem>>, vector<1x1024xf32>
      %get3A_100 = arith.constant 0 : index
      %get3A_101 = arith.constant 0 : index
      %get3A_102 = vector.load %arg4[%get3A_100, %get3A_101] : memref<512x1024xf32, #tpu.memory_space<vmem>>, vector<512x1024xf32>
      %sub3A_103 = vector.broadcast %get3A_99 : vector<1x1024xf32> to vector<512x1024xf32>
      %sub3A_104 = arith.subf %get3A_102, %sub3A_103 : vector<512x1024xf32>
      %swap3A = arith.constant 0 : index
      %swap3A_105 = arith.constant 0 : index
      %swap3A_106 = vector.load %arg4[%swap3A, %swap3A_105] : memref<512x1024xf32, #tpu.memory_space<vmem>>, vector<512x1024xf32>
      tpu.vector_store %arg4[%swap3A, %swap3A_105], %sub3A_104 {strides = array<i32>} : memref<512x1024xf32, #tpu.memory_space<vmem>>, vector<512x1024xf32>,
      %mul3A_107 = arith.constant 512 : i32
      %mul3A_108 = arith.muli %add3A_34, %mul3A_107 : i32
      %dma_start3A_109 = arith.constant 0 : i32
      %dma_start3A_110 = tpu.memref_slice %arg3[%mul3A_108, %dma_start3A_109] : memref<24576x1024xf32, #tpu.memory_space<any>> -> memref<512x1024xf32, #tpu.memory_space<any>>
      tpu.enqueue_dma source(%arg4 : memref<512x1024xf32, #tpu.memory_space<vmem>>) target(%dma_start3A_110 : memref<512x1024xf32, #tpu.memory_space<any>>) target_semaphore(%arg16 : memref<!tpu.dma_semaphore, #tpu.memory_space<semaphore_mem>>)
      %add3A_111 = arith.constant 4 : i32
      %add3A_112 = arith.addi %add3A_34, %add3A_111 : i32
      %lt3A_113 = arith.constant 42 : i32
      %lt3A_114 = arith.cmpi slt, %add3A_112, %lt3A_113 : i32
      %convert_element_type3A = arith.extui %lt3A_114 : i1 to i32
      %cond3A = arith.constant 0 : i32
      %cond3A_115 = arith.cmpi ne, %convert_element_type3A, %cond3A : i32
      scf.if %cond3A_115 {
        %ge3A = arith.constant 2 : i32
        %ge3A_611 = arith.cmpi sge, %add3A_34, %ge3A : i32
        %convert_element_type3A_612 = arith.extui %ge3A_611 : i1 to i32
        %cond3A_613 = arith.constant 0 : i32
        %cond3A_614 = arith.cmpi ne, %convert_element_type3A_612, %cond3A_613 : i32
        scf.if %cond3A_614 {
          %add3A_666 = arith.constant 4 : i32
          %add3A_667 = arith.addi %add3A_34, %add3A_666 : i32
          %sub3A_668 = arith.constant 6 : i32
          %sub3A_669 = arith.subi %add3A_667, %sub3A_668 : i32
          %mul3A_670 = arith.constant 512 : i32
          %mul3A_671 = arith.muli %sub3A_669, %mul3A_670 : i32
          %dma_wait3A_672 = arith.constant 0 : i32
          %dma_wait3A_673 = tpu.memref_slice %arg3[%mul3A_671, %dma_wait3A_672] : memref<24576x1024xf32, #tpu.memory_space<any>> -> memref<512x1024xf32, #tpu.memory_space<any>>
          tpu.wait_dma2 semaphore(%arg20 : memref<!tpu.dma_semaphore, #tpu.memory_space<semaphore_mem>>) src(%arg8 : memref<512x1024xf32, #tpu.memory_space<vmem>>) dst(%dma_wait3A_673 : memref<512x1024xf32, #tpu.memory_space<any>>)
        } else {
        }
        %add3A_615 = arith.constant 4 : i32
        %add3A_616 = arith.addi %add3A_34, %add3A_615 : i32
        %jit3A_617 = arith.constant 12 : i32
        %div3A_618 = arith.divsi %add3A_616, %jit3A_617 : i32
        %sign3A_619 = arith.constant 0 : i32
        %sign3A_620 = arith.cmpi sgt, %add3A_616, %sign3A_619 : i32
        %sign3A_621 = arith.extui %sign3A_620 : i1 to i32
        %sign3A_622 = arith.constant 0 : i32
        %sign3A_623 = arith.cmpi slt, %add3A_616, %sign3A_622 : i32
        %sign3A_624 = arith.extui %sign3A_623 : i1 to i32
        %sign3A_625 = arith.subi %sign3A_621, %sign3A_624 : i32
        %sign3A_626 = arith.constant 0 : i32
        %sign3A_627 = arith.cmpi sgt, %jit3A_617, %sign3A_626 : i32
        %sign3A_628 = arith.extui %sign3A_627 : i1 to i32
        %sign3A_629 = arith.constant 0 : i32
        %sign3A_630 = arith.cmpi slt, %jit3A_617, %sign3A_629 : i32
        %sign3A_631 = arith.extui %sign3A_630 : i1 to i32
        %sign3A_632 = arith.subi %sign3A_628, %sign3A_631 : i32
        %ne3A_633 = arith.cmpi ne, %sign3A_625, %sign3A_632 : i32
        %rem3A_634 = arith.remsi %add3A_616, %jit3A_617 : i32
        %ne3A_635 = arith.constant 0 : i32
        %ne3A_636 = arith.cmpi ne, %rem3A_634, %ne3A_635 : i32
        %and3A_637 = arith.andi %ne3A_633, %ne3A_636 : i1
        %sub3A_638 = arith.constant 1 : i32
        %sub3A_639 = arith.subi %div3A_618, %sub3A_638 : i32
        %select_n3A_640 = arith.select %and3A_637, %sub3A_639, %div3A_618 : i32
        %mul3A_641 = arith.constant 8192 : i32
        %mul3A_642 = arith.muli %select_n3A_640, %mul3A_641 : i32
        %add3A_643 = arith.constant 1024 : i32
        %add3A_644 = arith.addi %mul3A_642, %add3A_643 : i32
        %jit3A_645 = arith.constant 12 : i32
        %eq3A_646 = arith.constant 0 : i32
        %eq3A_647 = arith.cmpi eq, %jit3A_645, %eq3A_646 : i32
        %jit3A_648 = arith.constant 1 : i32
        %select_n3A_649 = arith.select %eq3A_647, %jit3A_648, %jit3A_645 : i32
        %rem3A_650 = arith.remsi %add3A_616, %select_n3A_649 : i32
        %ne3A_651 = arith.constant 0 : i32
        %ne3A_652 = arith.cmpi ne, %rem3A_650, %ne3A_651 : i32
        %lt3A_653 = arith.constant 0 : i32
        %lt3A_654 = arith.cmpi slt, %rem3A_650, %lt3A_653 : i32
        %lt3A_655 = arith.constant 0 : i32
        %lt3A_656 = arith.cmpi slt, %select_n3A_649, %lt3A_655 : i32
        %ne3A_657 = arith.xori %lt3A_654, %lt3A_656 : i1
        %and3A_658 = arith.andi %ne3A_657, %ne3A_652 : i1
        %add3A_659 = arith.addi %rem3A_650, %select_n3A_649 : i32
        %select_n3A_660 = arith.select %and3A_658, %add3A_659, %rem3A_650 : i32
        %mul3A_661 = arith.constant 512 : i32
        %mul3A_662 = arith.muli %select_n3A_660, %mul3A_661 : i32
        %add3A_663 = arith.addi %add3A_644, %mul3A_662 : i32
        %dma_start3A_664 = arith.constant 0 : i32
        %dma_start3A_665 = tpu.memref_slice %arg1[%add3A_663, %dma_start3A_664] : memref<32768x1024xf32, #tpu.memory_space<any>> -> memref<512x1024xf32, #tpu.memory_space<any>>
        tpu.enqueue_dma source(%dma_start3A_665 : memref<512x1024xf32, #tpu.memory_space<any>>) target(%arg8 : memref<512x1024xf32, #tpu.memory_space<vmem>>) target_semaphore(%arg14 : memref<!tpu.dma_semaphore, #tpu.memory_space<semaphore_mem>>)
      } else {
      }
      %mul3A_116 = arith.constant 6 : i32
      %mul3A_117 = arith.muli %mul3A_116, %scan3A_32 : i32
      %add3A_118 = arith.constant 1 : i32
      %add3A_119 = arith.addi %mul3A_117, %add3A_118 : i32
      %jit3A_120 = arith.constant 12 : i32
      %div3A_121 = arith.divsi %add3A_119, %jit3A_120 : i32
      %sign3A_122 = arith.constant 0 : i32
      %sign3A_123 = arith.cmpi sgt, %add3A_119, %sign3A_122 : i32
      %sign3A_124 = arith.extui %sign3A_123 : i1 to i32
      %sign3A_125 = arith.constant 0 : i32
      %sign3A_126 = arith.cmpi slt, %add3A_119, %sign3A_125 : i32
      %sign3A_127 = arith.extui %sign3A_126 : i1 to i32
      %sign3A_128 = arith.subi %sign3A_124, %sign3A_127 : i32
      %sign3A_129 = arith.constant 0 : i32
      %sign3A_130 = arith.cmpi sgt, %jit3A_120, %sign3A_129 : i32
      %sign3A_131 = arith.extui %sign3A_130 : i1 to i32
      %sign3A_132 = arith.constant 0 : i32
      %sign3A_133 = arith.cmpi slt, %jit3A_120, %sign3A_132 : i32
      %sign3A_134 = arith.extui %sign3A_133 : i1 to i32
      %sign3A_135 = arith.subi %sign3A_131, %sign3A_134 : i32
      %ne3A_136 = arith.cmpi ne, %sign3A_128, %sign3A_135 : i32
      %rem3A_137 = arith.remsi %add3A_119, %jit3A_120 : i32
      %ne3A_138 = arith.constant 0 : i32
      %ne3A_139 = arith.cmpi ne, %rem3A_137, %ne3A_138 : i32
      %and3A_140 = arith.andi %ne3A_136, %ne3A_139 : i1
      %sub3A_141 = arith.constant 1 : i32
      %sub3A_142 = arith.subi %div3A_121, %sub3A_141 : i32
      %select_n3A_143 = arith.select %and3A_140, %sub3A_142, %div3A_121 : i32
      %mul3A_144 = arith.constant 8192 : i32
      %mul3A_145 = arith.muli %select_n3A_143, %mul3A_144 : i32
      %add3A_146 = arith.constant 1024 : i32
      %add3A_147 = arith.addi %mul3A_145, %add3A_146 : i32
      %jit3A_148 = arith.constant 12 : i32
      %eq3A_149 = arith.constant 0 : i32
      %eq3A_150 = arith.cmpi eq, %jit3A_148, %eq3A_149 : i32
      %jit3A_151 = arith.constant 1 : i32
      %select_n3A_152 = arith.select %eq3A_150, %jit3A_151, %jit3A_148 : i32
      %rem3A_153 = arith.remsi %add3A_119, %select_n3A_152 : i32
      %ne3A_154 = arith.constant 0 : i32
      %ne3A_155 = arith.cmpi ne, %rem3A_153, %ne3A_154 : i32
      %lt3A_156 = arith.constant 0 : i32
      %lt3A_157 = arith.cmpi slt, %rem3A_153, %lt3A_156 : i32
      %lt3A_158 = arith.constant 0 : i32
      %lt3A_159 = arith.cmpi slt, %select_n3A_152, %lt3A_158 : i32
      %ne3A_160 = arith.xori %lt3A_157, %lt3A_159 : i1
      %and3A_161 = arith.andi %ne3A_160, %ne3A_155 : i1
      %add3A_162 = arith.addi %rem3A_153, %select_n3A_152 : i32
      %select_n3A_163 = arith.select %and3A_161, %add3A_162, %rem3A_153 : i32
      %mul3A_164 = arith.constant 512 : i32
      %mul3A_165 = arith.muli %select_n3A_163, %mul3A_164 : i32
      %add3A_166 = arith.addi %add3A_147, %mul3A_165 : i32
      %dma_wait3A_167 = arith.constant 0 : i32
      %dma_wait3A_168 = tpu.memref_slice %arg1[%add3A_166, %dma_wait3A_167] : memref<32768x1024xf32, #tpu.memory_space<any>> -> memref<512x1024xf32, #tpu.memory_space<any>>
      tpu.wait_dma2 semaphore(%arg11 : memref<!tpu.dma_semaphore, #tpu.memory_space<semaphore_mem>>) src(%dma_wait3A_168 : memref<512x1024xf32, #tpu.memory_space<any>>) dst(%arg5 : memref<512x1024xf32, #tpu.memory_space<vmem>>)
      %jit3A_169 = arith.constant 12 : i32
      %div3A_170 = arith.divsi %add3A_119, %jit3A_169 : i32
      %sign3A_171 = arith.constant 0 : i32
      %sign3A_172 = arith.cmpi sgt, %add3A_119, %sign3A_171 : i32
      %sign3A_173 = arith.extui %sign3A_172 : i1 to i32
      %sign3A_174 = arith.constant 0 : i32
      %sign3A_175 = arith.cmpi slt, %add3A_119, %sign3A_174 : i32
      %sign3A_176 = arith.extui %sign3A_175 : i1 to i32
      %sign3A_177 = arith.subi %sign3A_173, %sign3A_176 : i32
      %sign3A_178 = arith.constant 0 : i32
      %sign3A_179 = arith.cmpi sgt, %jit3A_169, %sign3A_178 : i32
      %sign3A_180 = arith.extui %sign3A_179 : i1 to i32
      %sign3A_181 = arith.constant 0 : i32
      %sign3A_182 = arith.cmpi slt, %jit3A_169, %sign3A_181 : i32
      %sign3A_183 = arith.extui %sign3A_182 : i1 to i32
      %sign3A_184 = arith.subi %sign3A_180, %sign3A_183 : i32
      %ne3A_185 = arith.cmpi ne, %sign3A_177, %sign3A_184 : i32
      %rem3A_186 = arith.remsi %add3A_119, %jit3A_169 : i32
      %ne3A_187 = arith.constant 0 : i32
      %ne3A_188 = arith.cmpi ne, %rem3A_186, %ne3A_187 : i32
      %and3A_189 = arith.andi %ne3A_185, %ne3A_188 : i1
      %sub3A_190 = arith.constant 1 : i32
      %sub3A_191 = arith.subi %div3A_170, %sub3A_190 : i32
      %select_n3A_192 = arith.select %and3A_189, %sub3A_191, %div3A_170 : i32
      %get3A_193 = arith.index_cast %select_n3A_192 : i32 to index
      %get3A_194 = arith.constant 0 : index
      %get3A_195 = vector.load %arg0[%get3A_193, %get3A_194] : memref<4x1024xf32, #tpu.memory_space<vmem>>, vector<1x1024xf32>
      %get3A_196 = arith.constant 0 : index
      %get3A_197 = arith.constant 0 : index
      %get3A_198 = vector.load %arg5[%get3A_196, %get3A_197] : memref<512x1024xf32, #tpu.memory_space<vmem>>, vector<512x1024xf32>
      %sub3A_199 = vector.broadcast %get3A_195 : vector<1x1024xf32> to vector<512x1024xf32>
      %sub3A_200 = arith.subf %get3A_198, %sub3A_199 : vector<512x1024xf32>
      %swap3A_201 = arith.constant 0 : index
      %swap3A_202 = arith.constant 0 : index
      %swap3A_203 = vector.load %arg5[%swap3A_201, %swap3A_202] : memref<512x1024xf32, #tpu.memory_space<vmem>>, vector<512x1024xf32>
      tpu.vector_store %arg5[%swap3A_201, %swap3A_202], %sub3A_200 {strides = array<i32>} : memref<512x1024xf32, #tpu.memory_space<vmem>>, vector<512x1024xf32>,
      %mul3A_204 = arith.constant 512 : i32
      %mul3A_205 = arith.muli %add3A_119, %mul3A_204 : i32
      %dma_start3A_206 = arith.constant 0 : i32
      %dma_start3A_207 = tpu.memref_slice %arg3[%mul3A_205, %dma_start3A_206] : memref<24576x1024xf32, #tpu.memory_space<any>> -> memref<512x1024xf32, #tpu.memory_space<any>>
      tpu.enqueue_dma source(%arg5 : memref<512x1024xf32, #tpu.memory_space<vmem>>) target(%dma_start3A_207 : memref<512x1024xf32, #tpu.memory_space<any>>) target_semaphore(%arg17 : memref<!tpu.dma_semaphore, #tpu.memory_space<semaphore_mem>>)
      %add3A_208 = arith.constant 4 : i32
      %add3A_209 = arith.addi %add3A_119, %add3A_208 : i32
      %lt3A_210 = arith.constant 42 : i32
      %lt3A_211 = arith.cmpi slt, %add3A_209, %lt3A_210 : i32
      %convert_element_type3A_212 = arith.extui %lt3A_211 : i1 to i32
      %cond3A_213 = arith.constant 0 : i32
      %cond3A_214 = arith.cmpi ne, %convert_element_type3A_212, %cond3A_213 : i32
      scf.if %cond3A_214 {
        %ge3A = arith.constant 2 : i32
        %ge3A_611 = arith.cmpi sge, %add3A_119, %ge3A : i32
        %convert_element_type3A_612 = arith.extui %ge3A_611 : i1 to i32
        %cond3A_613 = arith.constant 0 : i32
        %cond3A_614 = arith.cmpi ne, %convert_element_type3A_612, %cond3A_613 : i32
        scf.if %cond3A_614 {
          %add3A_666 = arith.constant 4 : i32
          %add3A_667 = arith.addi %add3A_119, %add3A_666 : i32
          %sub3A_668 = arith.constant 6 : i32
          %sub3A_669 = arith.subi %add3A_667, %sub3A_668 : i32
          %mul3A_670 = arith.constant 512 : i32
          %mul3A_671 = arith.muli %sub3A_669, %mul3A_670 : i32
          %dma_wait3A_672 = arith.constant 0 : i32
          %dma_wait3A_673 = tpu.memref_slice %arg3[%mul3A_671, %dma_wait3A_672] : memref<24576x1024xf32, #tpu.memory_space<any>> -> memref<512x1024xf32, #tpu.memory_space<any>>
          tpu.wait_dma2 semaphore(%arg21 : memref<!tpu.dma_semaphore, #tpu.memory_space<semaphore_mem>>) src(%arg9 : memref<512x1024xf32, #tpu.memory_space<vmem>>) dst(%dma_wait3A_673 : memref<512x1024xf32, #tpu.memory_space<any>>)
        } else {
        }
        %add3A_615 = arith.constant 4 : i32
        %add3A_616 = arith.addi %add3A_119, %add3A_615 : i32
        %jit3A_617 = arith.constant 12 : i32
        %div3A_618 = arith.divsi %add3A_616, %jit3A_617 : i32
        %sign3A_619 = arith.constant 0 : i32
        %sign3A_620 = arith.cmpi sgt, %add3A_616, %sign3A_619 : i32
        %sign3A_621 = arith.extui %sign3A_620 : i1 to i32
        %sign3A_622 = arith.constant 0 : i32
        %sign3A_623 = arith.cmpi slt, %add3A_616, %sign3A_622 : i32
        %sign3A_624 = arith.extui %sign3A_623 : i1 to i32
        %sign3A_625 = arith.subi %sign3A_621, %sign3A_624 : i32
        %sign3A_626 = arith.constant 0 : i32
        %sign3A_627 = arith.cmpi sgt, %jit3A_617, %sign3A_626 : i32
        %sign3A_628 = arith.extui %sign3A_627 : i1 to i32
        %sign3A_629 = arith.constant 0 : i32
        %sign3A_630 = arith.cmpi slt, %jit3A_617, %sign3A_629 : i32
        %sign3A_631 = arith.extui %sign3A_630 : i1 to i32
        %sign3A_632 = arith.subi %sign3A_628, %sign3A_631 : i32
        %ne3A_633 = arith.cmpi ne, %sign3A_625, %sign3A_632 : i32
        %rem3A_634 = arith.remsi %add3A_616, %jit3A_617 : i32
        %ne3A_635 = arith.constant 0 : i32
        %ne3A_636 = arith.cmpi ne, %rem3A_634, %ne3A_635 : i32
        %and3A_637 = arith.andi %ne3A_633, %ne3A_636 : i1
        %sub3A_638 = arith.constant 1 : i32
        %sub3A_639 = arith.subi %div3A_618, %sub3A_638 : i32
        %select_n3A_640 = arith.select %and3A_637, %sub3A_639, %div3A_618 : i32
        %mul3A_641 = arith.constant 8192 : i32
        %mul3A_642 = arith.muli %select_n3A_640, %mul3A_641 : i32
        %add3A_643 = arith.constant 1024 : i32
        %add3A_644 = arith.addi %mul3A_642, %add3A_643 : i32
        %jit3A_645 = arith.constant 12 : i32
        %eq3A_646 = arith.constant 0 : i32
        %eq3A_647 = arith.cmpi eq, %jit3A_645, %eq3A_646 : i32
        %jit3A_648 = arith.constant 1 : i32
        %select_n3A_649 = arith.select %eq3A_647, %jit3A_648, %jit3A_645 : i32
        %rem3A_650 = arith.remsi %add3A_616, %select_n3A_649 : i32
        %ne3A_651 = arith.constant 0 : i32
        %ne3A_652 = arith.cmpi ne, %rem3A_650, %ne3A_651 : i32
        %lt3A_653 = arith.constant 0 : i32
        %lt3A_654 = arith.cmpi slt, %rem3A_650, %lt3A_653 : i32
        %lt3A_655 = arith.constant 0 : i32
        %lt3A_656 = arith.cmpi slt, %select_n3A_649, %lt3A_655 : i32
        %ne3A_657 = arith.xori %lt3A_654, %lt3A_656 : i1
        %and3A_658 = arith.andi %ne3A_657, %ne3A_652 : i1
        %add3A_659 = arith.addi %rem3A_650, %select_n3A_649 : i32
        %select_n3A_660 = arith.select %and3A_658, %add3A_659, %rem3A_650 : i32
        %mul3A_661 = arith.constant 512 : i32
        %mul3A_662 = arith.muli %select_n3A_660, %mul3A_661 : i32
        %add3A_663 = arith.addi %add3A_644, %mul3A_662 : i32
        %dma_start3A_664 = arith.constant 0 : i32
        %dma_start3A_665 = tpu.memref_slice %arg1[%add3A_663, %dma_start3A_664] : memref<32768x1024xf32, #tpu.memory_space<any>> -> memref<512x1024xf32, #tpu.memory_space<any>>
        tpu.enqueue_dma source(%dma_start3A_665 : memref<512x1024xf32, #tpu.memory_space<any>>) target(%arg9 : memref<512x1024xf32, #tpu.memory_space<vmem>>) target_semaphore(%arg15 : memref<!tpu.dma_semaphore, #tpu.memory_space<semaphore_mem>>)
      } else {
      }
      %mul3A_215 = arith.constant 6 : i32
      %mul3A_216 = arith.muli %mul3A_215, %scan3A_32 : i32
      %add3A_217 = arith.constant 2 : i32
      %add3A_218 = arith.addi %mul3A_216, %add3A_217 : i32
      %jit3A_219 = arith.constant 12 : i32
      %div3A_220 = arith.divsi %add3A_218, %jit3A_219 : i32
      %sign3A_221 = arith.constant 0 : i32
      %sign3A_222 = arith.cmpi sgt, %add3A_218, %sign3A_221 : i32
      %sign3A_223 = arith.extui %sign3A_222 : i1 to i32
      %sign3A_224 = arith.constant 0 : i32
      %sign3A_225 = arith.cmpi slt, %add3A_218, %sign3A_224 : i32
      %sign3A_226 = arith.extui %sign3A_225 : i1 to i32
      %sign3A_227 = arith.subi %sign3A_223, %sign3A_226 : i32
      %sign3A_228 = arith.constant 0 : i32
      %sign3A_229 = arith.cmpi sgt, %jit3A_219, %sign3A_228 : i32
      %sign3A_230 = arith.extui %sign3A_229 : i1 to i32
      %sign3A_231 = arith.constant 0 : i32
      %sign3A_232 = arith.cmpi slt, %jit3A_219, %sign3A_231 : i32
      %sign3A_233 = arith.extui %sign3A_232 : i1 to i32
      %sign3A_234 = arith.subi %sign3A_230, %sign3A_233 : i32
      %ne3A_235 = arith.cmpi ne, %sign3A_227, %sign3A_234 : i32
      %rem3A_236 = arith.remsi %add3A_218, %jit3A_219 : i32
      %ne3A_237 = arith.constant 0 : i32
      %ne3A_238 = arith.cmpi ne, %rem3A_236, %ne3A_237 : i32
      %and3A_239 = arith.andi %ne3A_235, %ne3A_238 : i1
      %sub3A_240 = arith.constant 1 : i32
      %sub3A_241 = arith.subi %div3A_220, %sub3A_240 : i32
      %select_n3A_242 = arith.select %and3A_239, %sub3A_241, %div3A_220 : i32
      %mul3A_243 = arith.constant 8192 : i32
      %mul3A_244 = arith.muli %select_n3A_242, %mul3A_243 : i32
      %add3A_245 = arith.constant 1024 : i32
      %add3A_246 = arith.addi %mul3A_244, %add3A_245 : i32
      %jit3A_247 = arith.constant 12 : i32
      %eq3A_248 = arith.constant 0 : i32
      %eq3A_249 = arith.cmpi eq, %jit3A_247, %eq3A_248 : i32
      %jit3A_250 = arith.constant 1 : i32
      %select_n3A_251 = arith.select %eq3A_249, %jit3A_250, %jit3A_247 : i32
      %rem3A_252 = arith.remsi %add3A_218, %select_n3A_251 : i32
      %ne3A_253 = arith.constant 0 : i32
      %ne3A_254 = arith.cmpi ne, %rem3A_252, %ne3A_253 : i32
      %lt3A_255 = arith.constant 0 : i32
      %lt3A_256 = arith.cmpi slt, %rem3A_252, %lt3A_255 : i32
      %lt3A_257 = arith.constant 0 : i32
      %lt3A_258 = arith.cmpi slt, %select_n3A_251, %lt3A_257 : i32
      %ne3A_259 = arith.xori %lt3A_256, %lt3A_258 : i1
      %and3A_260 = arith.andi %ne3A_259, %ne3A_254 : i1
      %add3A_261 = arith.addi %rem3A_252, %select_n3A_251 : i32
      %select_n3A_262 = arith.select %and3A_260, %add3A_261, %rem3A_252 : i32
      %mul3A_263 = arith.constant 512 : i32
      %mul3A_264 = arith.muli %select_n3A_262, %mul3A_263 : i32
      %add3A_265 = arith.addi %add3A_246, %mul3A_264 : i32
      %dma_wait3A_266 = arith.constant 0 : i32
      %dma_wait3A_267 = tpu.memref_slice %arg1[%add3A_265, %dma_wait3A_266] : memref<32768x1024xf32, #tpu.memory_space<any>> -> memref<512x1024xf32, #tpu.memory_space<any>>
      tpu.wait_dma2 semaphore(%arg12 : memref<!tpu.dma_semaphore, #tpu.memory_space<semaphore_mem>>) src(%dma_wait3A_267 : memref<512x1024xf32, #tpu.memory_space<any>>) dst(%arg6 : memref<512x1024xf32, #tpu.memory_space<vmem>>)
      %jit3A_268 = arith.constant 12 : i32
      %div3A_269 = arith.divsi %add3A_218, %jit3A_268 : i32
      %sign3A_270 = arith.constant 0 : i32
      %sign3A_271 = arith.cmpi sgt, %add3A_218, %sign3A_270 : i32
      %sign3A_272 = arith.extui %sign3A_271 : i1 to i32
      %sign3A_273 = arith.constant 0 : i32
      %sign3A_274 = arith.cmpi slt, %add3A_218, %sign3A_273 : i32
      %sign3A_275 = arith.extui %sign3A_274 : i1 to i32
      %sign3A_276 = arith.subi %sign3A_272, %sign3A_275 : i32
      %sign3A_277 = arith.constant 0 : i32
      %sign3A_278 = arith.cmpi sgt, %jit3A_268, %sign3A_277 : i32
      %sign3A_279 = arith.extui %sign3A_278 : i1 to i32
      %sign3A_280 = arith.constant 0 : i32
      %sign3A_281 = arith.cmpi slt, %jit3A_268, %sign3A_280 : i32
      %sign3A_282 = arith.extui %sign3A_281 : i1 to i32
      %sign3A_283 = arith.subi %sign3A_279, %sign3A_282 : i32
      %ne3A_284 = arith.cmpi ne, %sign3A_276, %sign3A_283 : i32
      %rem3A_285 = arith.remsi %add3A_218, %jit3A_268 : i32
      %ne3A_286 = arith.constant 0 : i32
      %ne3A_287 = arith.cmpi ne, %rem3A_285, %ne3A_286 : i32
      %and3A_288 = arith.andi %ne3A_284, %ne3A_287 : i1
      %sub3A_289 = arith.constant 1 : i32
      %sub3A_290 = arith.subi %div3A_269, %sub3A_289 : i32
      %select_n3A_291 = arith.select %and3A_288, %sub3A_290, %div3A_269 : i32
      %get3A_292 = arith.index_cast %select_n3A_291 : i32 to index
      %get3A_293 = arith.constant 0 : index
      %get3A_294 = vector.load %arg0[%get3A_292, %get3A_293] : memref<4x1024xf32, #tpu.memory_space<vmem>>, vector<1x1024xf32>
      %get3A_295 = arith.constant 0 : index
      %get3A_296 = arith.constant 0 : index
      %get3A_297 = vector.load %arg6[%get3A_295, %get3A_296] : memref<512x1024xf32, #tpu.memory_space<vmem>>, vector<512x1024xf32>
      %sub3A_298 = vector.broadcast %get3A_294 : vector<1x1024xf32> to vector<512x1024xf32>
      %sub3A_299 = arith.subf %get3A_297, %sub3A_298 : vector<512x1024xf32>
      %swap3A_300 = arith.constant 0 : index
      %swap3A_301 = arith.constant 0 : index
      %swap3A_302 = vector.load %arg6[%swap3A_300, %swap3A_301] : memref<512x1024xf32, #tpu.memory_space<vmem>>, vector<512x1024xf32>
      tpu.vector_store %arg6[%swap3A_300, %swap3A_301], %sub3A_299 {strides = array<i32>} : memref<512x1024xf32, #tpu.memory_space<vmem>>, vector<512x1024xf32>,
      %mul3A_303 = arith.constant 512 : i32
      %mul3A_304 = arith.muli %add3A_218, %mul3A_303 : i32
      %dma_start3A_305 = arith.constant 0 : i32
      %dma_start3A_306 = tpu.memref_slice %arg3[%mul3A_304, %dma_start3A_305] : memref<24576x1024xf32, #tpu.memory_space<any>> -> memref<512x1024xf32, #tpu.memory_space<any>>
      tpu.enqueue_dma source(%arg6 : memref<512x1024xf32, #tpu.memory_space<vmem>>) target(%dma_start3A_306 : memref<512x1024xf32, #tpu.memory_space<any>>) target_semaphore(%arg18 : memref<!tpu.dma_semaphore, #tpu.memory_space<semaphore_mem>>)
      %add3A_307 = arith.constant 4 : i32
      %add3A_308 = arith.addi %add3A_218, %add3A_307 : i32
      %lt3A_309 = arith.constant 42 : i32
      %lt3A_310 = arith.cmpi slt, %add3A_308, %lt3A_309 : i32
      %convert_element_type3A_311 = arith.extui %lt3A_310 : i1 to i32
      %cond3A_312 = arith.constant 0 : i32
      %cond3A_313 = arith.cmpi ne, %convert_element_type3A_311, %cond3A_312 : i32
      scf.if %cond3A_313 {
        %ge3A = arith.constant 2 : i32
        %ge3A_611 = arith.cmpi sge, %add3A_218, %ge3A : i32
        %convert_element_type3A_612 = arith.extui %ge3A_611 : i1 to i32
        %cond3A_613 = arith.constant 0 : i32
        %cond3A_614 = arith.cmpi ne, %convert_element_type3A_612, %cond3A_613 : i32
        scf.if %cond3A_614 {
          %add3A_666 = arith.constant 4 : i32
          %add3A_667 = arith.addi %add3A_218, %add3A_666 : i32
          %sub3A_668 = arith.constant 6 : i32
          %sub3A_669 = arith.subi %add3A_667, %sub3A_668 : i32
          %mul3A_670 = arith.constant 512 : i32
          %mul3A_671 = arith.muli %sub3A_669, %mul3A_670 : i32
          %dma_wait3A_672 = arith.constant 0 : i32
          %dma_wait3A_673 = tpu.memref_slice %arg3[%mul3A_671, %dma_wait3A_672] : memref<24576x1024xf32, #tpu.memory_space<any>> -> memref<512x1024xf32, #tpu.memory_space<any>>
          tpu.wait_dma2 semaphore(%arg16 : memref<!tpu.dma_semaphore, #tpu.memory_space<semaphore_mem>>) src(%arg4 : memref<512x1024xf32, #tpu.memory_space<vmem>>) dst(%dma_wait3A_673 : memref<512x1024xf32, #tpu.memory_space<any>>)
        } else {
        }
        %add3A_615 = arith.constant 4 : i32
        %add3A_616 = arith.addi %add3A_218, %add3A_615 : i32
        %jit3A_617 = arith.constant 12 : i32
        %div3A_618 = arith.divsi %add3A_616, %jit3A_617 : i32
        %sign3A_619 = arith.constant 0 : i32
        %sign3A_620 = arith.cmpi sgt, %add3A_616, %sign3A_619 : i32
        %sign3A_621 = arith.extui %sign3A_620 : i1 to i32
        %sign3A_622 = arith.constant 0 : i32
        %sign3A_623 = arith.cmpi slt, %add3A_616, %sign3A_622 : i32
        %sign3A_624 = arith.extui %sign3A_623 : i1 to i32
        %sign3A_625 = arith.subi %sign3A_621, %sign3A_624 : i32
        %sign3A_626 = arith.constant 0 : i32
        %sign3A_627 = arith.cmpi sgt, %jit3A_617, %sign3A_626 : i32
        %sign3A_628 = arith.extui %sign3A_627 : i1 to i32
        %sign3A_629 = arith.constant 0 : i32
        %sign3A_630 = arith.cmpi slt, %jit3A_617, %sign3A_629 : i32
        %sign3A_631 = arith.extui %sign3A_630 : i1 to i32
        %sign3A_632 = arith.subi %sign3A_628, %sign3A_631 : i32
        %ne3A_633 = arith.cmpi ne, %sign3A_625, %sign3A_632 : i32
        %rem3A_634 = arith.remsi %add3A_616, %jit3A_617 : i32
        %ne3A_635 = arith.constant 0 : i32
        %ne3A_636 = arith.cmpi ne, %rem3A_634, %ne3A_635 : i32
        %and3A_637 = arith.andi %ne3A_633, %ne3A_636 : i1
        %sub3A_638 = arith.constant 1 : i32
        %sub3A_639 = arith.subi %div3A_618, %sub3A_638 : i32
        %select_n3A_640 = arith.select %and3A_637, %sub3A_639, %div3A_618 : i32
        %mul3A_641 = arith.constant 8192 : i32
        %mul3A_642 = arith.muli %select_n3A_640, %mul3A_641 : i32
        %add3A_643 = arith.constant 1024 : i32
        %add3A_644 = arith.addi %mul3A_642, %add3A_643 : i32
        %jit3A_645 = arith.constant 12 : i32
        %eq3A_646 = arith.constant 0 : i32
        %eq3A_647 = arith.cmpi eq, %jit3A_645, %eq3A_646 : i32
        %jit3A_648 = arith.constant 1 : i32
        %select_n3A_649 = arith.select %eq3A_647, %jit3A_648, %jit3A_645 : i32
        %rem3A_650 = arith.remsi %add3A_616, %select_n3A_649 : i32
        %ne3A_651 = arith.constant 0 : i32
        %ne3A_652 = arith.cmpi ne, %rem3A_650, %ne3A_651 : i32
        %lt3A_653 = arith.constant 0 : i32
        %lt3A_654 = arith.cmpi slt, %rem3A_650, %lt3A_653 : i32
        %lt3A_655 = arith.constant 0 : i32
        %lt3A_656 = arith.cmpi slt, %select_n3A_649, %lt3A_655 : i32
        %ne3A_657 = arith.xori %lt3A_654, %lt3A_656 : i1
        %and3A_658 = arith.andi %ne3A_657, %ne3A_652 : i1
        %add3A_659 = arith.addi %rem3A_650, %select_n3A_649 : i32
        %select_n3A_660 = arith.select %and3A_658, %add3A_659, %rem3A_650 : i32
        %mul3A_661 = arith.constant 512 : i32
        %mul3A_662 = arith.muli %select_n3A_660, %mul3A_661 : i32
        %add3A_663 = arith.addi %add3A_644, %mul3A_662 : i32
        %dma_start3A_664 = arith.constant 0 : i32
        %dma_start3A_665 = tpu.memref_slice %arg1[%add3A_663, %dma_start3A_664] : memref<32768x1024xf32, #tpu.memory_space<any>> -> memref<512x1024xf32, #tpu.memory_space<any>>
        tpu.enqueue_dma source(%dma_start3A_665 : memref<512x1024xf32, #tpu.memory_space<any>>) target(%arg4 : memref<512x1024xf32, #tpu.memory_space<vmem>>) target_semaphore(%arg10 : memref<!tpu.dma_semaphore, #tpu.memory_space<semaphore_mem>>)
      } else {
      }
      %mul3A_314 = arith.constant 6 : i32
      %mul3A_315 = arith.muli %mul3A_314, %scan3A_32 : i32
      %add3A_316 = arith.constant 3 : i32
      %add3A_317 = arith.addi %mul3A_315, %add3A_316 : i32
      %jit3A_318 = arith.constant 12 : i32
      %div3A_319 = arith.divsi %add3A_317, %jit3A_318 : i32
      %sign3A_320 = arith.constant 0 : i32
      %sign3A_321 = arith.cmpi sgt, %add3A_317, %sign3A_320 : i32
      %sign3A_322 = arith.extui %sign3A_321 : i1 to i32
      %sign3A_323 = arith.constant 0 : i32
      %sign3A_324 = arith.cmpi slt, %add3A_317, %sign3A_323 : i32
      %sign3A_325 = arith.extui %sign3A_324 : i1 to i32
      %sign3A_326 = arith.subi %sign3A_322, %sign3A_325 : i32
      %sign3A_327 = arith.constant 0 : i32
      %sign3A_328 = arith.cmpi sgt, %jit3A_318, %sign3A_327 : i32
      %sign3A_329 = arith.extui %sign3A_328 : i1 to i32
      %sign3A_330 = arith.constant 0 : i32
      %sign3A_331 = arith.cmpi slt, %jit3A_318, %sign3A_330 : i32
      %sign3A_332 = arith.extui %sign3A_331 : i1 to i32
      %sign3A_333 = arith.subi %sign3A_329, %sign3A_332 : i32
      %ne3A_334 = arith.cmpi ne, %sign3A_326, %sign3A_333 : i32
      %rem3A_335 = arith.remsi %add3A_317, %jit3A_318 : i32
      %ne3A_336 = arith.constant 0 : i32
      %ne3A_337 = arith.cmpi ne, %rem3A_335, %ne3A_336 : i32
      %and3A_338 = arith.andi %ne3A_334, %ne3A_337 : i1
      %sub3A_339 = arith.constant 1 : i32
      %sub3A_340 = arith.subi %div3A_319, %sub3A_339 : i32
      %select_n3A_341 = arith.select %and3A_338, %sub3A_340, %div3A_319 : i32
      %mul3A_342 = arith.constant 8192 : i32
      %mul3A_343 = arith.muli %select_n3A_341, %mul3A_342 : i32
      %add3A_344 = arith.constant 1024 : i32
      %add3A_345 = arith.addi %mul3A_343, %add3A_344 : i32
      %jit3A_346 = arith.constant 12 : i32
      %eq3A_347 = arith.constant 0 : i32
      %eq3A_348 = arith.cmpi eq, %jit3A_346, %eq3A_347 : i32
      %jit3A_349 = arith.constant 1 : i32
      %select_n3A_350 = arith.select %eq3A_348, %jit3A_349, %jit3A_346 : i32
      %rem3A_351 = arith.remsi %add3A_317, %select_n3A_350 : i32
      %ne3A_352 = arith.constant 0 : i32
      %ne3A_353 = arith.cmpi ne, %rem3A_351, %ne3A_352 : i32
      %lt3A_354 = arith.constant 0 : i32
      %lt3A_355 = arith.cmpi slt, %rem3A_351, %lt3A_354 : i32
      %lt3A_356 = arith.constant 0 : i32
      %lt3A_357 = arith.cmpi slt, %select_n3A_350, %lt3A_356 : i32
      %ne3A_358 = arith.xori %lt3A_355, %lt3A_357 : i1
      %and3A_359 = arith.andi %ne3A_358, %ne3A_353 : i1
      %add3A_360 = arith.addi %rem3A_351, %select_n3A_350 : i32
      %select_n3A_361 = arith.select %and3A_359, %add3A_360, %rem3A_351 : i32
      %mul3A_362 = arith.constant 512 : i32
      %mul3A_363 = arith.muli %select_n3A_361, %mul3A_362 : i32
      %add3A_364 = arith.addi %add3A_345, %mul3A_363 : i32
      %dma_wait3A_365 = arith.constant 0 : i32
      %dma_wait3A_366 = tpu.memref_slice %arg1[%add3A_364, %dma_wait3A_365] : memref<32768x1024xf32, #tpu.memory_space<any>> -> memref<512x1024xf32, #tpu.memory_space<any>>
      tpu.wait_dma2 semaphore(%arg13 : memref<!tpu.dma_semaphore, #tpu.memory_space<semaphore_mem>>) src(%dma_wait3A_366 : memref<512x1024xf32, #tpu.memory_space<any>>) dst(%arg7 : memref<512x1024xf32, #tpu.memory_space<vmem>>)
      %jit3A_367 = arith.constant 12 : i32
      %div3A_368 = arith.divsi %add3A_317, %jit3A_367 : i32
      %sign3A_369 = arith.constant 0 : i32
      %sign3A_370 = arith.cmpi sgt, %add3A_317, %sign3A_369 : i32
      %sign3A_371 = arith.extui %sign3A_370 : i1 to i32
      %sign3A_372 = arith.constant 0 : i32
      %sign3A_373 = arith.cmpi slt, %add3A_317, %sign3A_372 : i32
      %sign3A_374 = arith.extui %sign3A_373 : i1 to i32
      %sign3A_375 = arith.subi %sign3A_371, %sign3A_374 : i32
      %sign3A_376 = arith.constant 0 : i32
      %sign3A_377 = arith.cmpi sgt, %jit3A_367, %sign3A_376 : i32
      %sign3A_378 = arith.extui %sign3A_377 : i1 to i32
      %sign3A_379 = arith.constant 0 : i32
      %sign3A_380 = arith.cmpi slt, %jit3A_367, %sign3A_379 : i32
      %sign3A_381 = arith.extui %sign3A_380 : i1 to i32
      %sign3A_382 = arith.subi %sign3A_378, %sign3A_381 : i32
      %ne3A_383 = arith.cmpi ne, %sign3A_375, %sign3A_382 : i32
      %rem3A_384 = arith.remsi %add3A_317, %jit3A_367 : i32
      %ne3A_385 = arith.constant 0 : i32
      %ne3A_386 = arith.cmpi ne, %rem3A_384, %ne3A_385 : i32
      %and3A_387 = arith.andi %ne3A_383, %ne3A_386 : i1
      %sub3A_388 = arith.constant 1 : i32
      %sub3A_389 = arith.subi %div3A_368, %sub3A_388 : i32
      %select_n3A_390 = arith.select %and3A_387, %sub3A_389, %div3A_368 : i32
      %get3A_391 = arith.index_cast %select_n3A_390 : i32 to index
      %get3A_392 = arith.constant 0 : index
      %get3A_393 = vector.load %arg0[%get3A_391, %get3A_392] : memref<4x1024xf32, #tpu.memory_space<vmem>>, vector<1x1024xf32>
      %get3A_394 = arith.constant 0 : index
      %get3A_395 = arith.constant 0 : index
      %get3A_396 = vector.load %arg7[%get3A_394, %get3A_395] : memref<512x1024xf32, #tpu.memory_space<vmem>>, vector<512x1024xf32>
      %sub3A_397 = vector.broadcast %get3A_393 : vector<1x1024xf32> to vector<512x1024xf32>
      %sub3A_398 = arith.subf %get3A_396, %sub3A_397 : vector<512x1024xf32>
      %swap3A_399 = arith.constant 0 : index
      %swap3A_400 = arith.constant 0 : index
      %swap3A_401 = vector.load %arg7[%swap3A_399, %swap3A_400] : memref<512x1024xf32, #tpu.memory_space<vmem>>, vector<512x1024xf32>
      tpu.vector_store %arg7[%swap3A_399, %swap3A_400], %sub3A_398 {strides = array<i32>} : memref<512x1024xf32, #tpu.memory_space<vmem>>, vector<512x1024xf32>,
      %mul3A_402 = arith.constant 512 : i32
      %mul3A_403 = arith.muli %add3A_317, %mul3A_402 : i32
      %dma_start3A_404 = arith.constant 0 : i32
      %dma_start3A_405 = tpu.memref_slice %arg3[%mul3A_403, %dma_start3A_404] : memref<24576x1024xf32, #tpu.memory_space<any>> -> memref<512x1024xf32, #tpu.memory_space<any>>
      tpu.enqueue_dma source(%arg7 : memref<512x1024xf32, #tpu.memory_space<vmem>>) target(%dma_start3A_405 : memref<512x1024xf32, #tpu.memory_space<any>>) target_semaphore(%arg19 : memref<!tpu.dma_semaphore, #tpu.memory_space<semaphore_mem>>)
      %add3A_406 = arith.constant 4 : i32
      %add3A_407 = arith.addi %add3A_317, %add3A_406 : i32
      %lt3A_408 = arith.constant 42 : i32
      %lt3A_409 = arith.cmpi slt, %add3A_407, %lt3A_408 : i32
      %convert_element_type3A_410 = arith.extui %lt3A_409 : i1 to i32
      %cond3A_411 = arith.constant 0 : i32
      %cond3A_412 = arith.cmpi ne, %convert_element_type3A_410, %cond3A_411 : i32
      scf.if %cond3A_412 {
        %ge3A = arith.constant 2 : i32
        %ge3A_611 = arith.cmpi sge, %add3A_317, %ge3A : i32
        %convert_element_type3A_612 = arith.extui %ge3A_611 : i1 to i32
        %cond3A_613 = arith.constant 0 : i32
        %cond3A_614 = arith.cmpi ne, %convert_element_type3A_612, %cond3A_613 : i32
        scf.if %cond3A_614 {
          %add3A_666 = arith.constant 4 : i32
          %add3A_667 = arith.addi %add3A_317, %add3A_666 : i32
          %sub3A_668 = arith.constant 6 : i32
          %sub3A_669 = arith.subi %add3A_667, %sub3A_668 : i32
          %mul3A_670 = arith.constant 512 : i32
          %mul3A_671 = arith.muli %sub3A_669, %mul3A_670 : i32
          %dma_wait3A_672 = arith.constant 0 : i32
          %dma_wait3A_673 = tpu.memref_slice %arg3[%mul3A_671, %dma_wait3A_672] : memref<24576x1024xf32, #tpu.memory_space<any>> -> memref<512x1024xf32, #tpu.memory_space<any>>
          tpu.wait_dma2 semaphore(%arg17 : memref<!tpu.dma_semaphore, #tpu.memory_space<semaphore_mem>>) src(%arg5 : memref<512x1024xf32, #tpu.memory_space<vmem>>) dst(%dma_wait3A_673 : memref<512x1024xf32, #tpu.memory_space<any>>)
        } else {
        }
        %add3A_615 = arith.constant 4 : i32
        %add3A_616 = arith.addi %add3A_317, %add3A_615 : i32
        %jit3A_617 = arith.constant 12 : i32
        %div3A_618 = arith.divsi %add3A_616, %jit3A_617 : i32
        %sign3A_619 = arith.constant 0 : i32
        %sign3A_620 = arith.cmpi sgt, %add3A_616, %sign3A_619 : i32
        %sign3A_621 = arith.extui %sign3A_620 : i1 to i32
        %sign3A_622 = arith.constant 0 : i32
        %sign3A_623 = arith.cmpi slt, %add3A_616, %sign3A_622 : i32
        %sign3A_624 = arith.extui %sign3A_623 : i1 to i32
        %sign3A_625 = arith.subi %sign3A_621, %sign3A_624 : i32
        %sign3A_626 = arith.constant 0 : i32
        %sign3A_627 = arith.cmpi sgt, %jit3A_617, %sign3A_626 : i32
        %sign3A_628 = arith.extui %sign3A_627 : i1 to i32
        %sign3A_629 = arith.constant 0 : i32
        %sign3A_630 = arith.cmpi slt, %jit3A_617, %sign3A_629 : i32
        %sign3A_631 = arith.extui %sign3A_630 : i1 to i32
        %sign3A_632 = arith.subi %sign3A_628, %sign3A_631 : i32
        %ne3A_633 = arith.cmpi ne, %sign3A_625, %sign3A_632 : i32
        %rem3A_634 = arith.remsi %add3A_616, %jit3A_617 : i32
        %ne3A_635 = arith.constant 0 : i32
        %ne3A_636 = arith.cmpi ne, %rem3A_634, %ne3A_635 : i32
        %and3A_637 = arith.andi %ne3A_633, %ne3A_636 : i1
        %sub3A_638 = arith.constant 1 : i32
        %sub3A_639 = arith.subi %div3A_618, %sub3A_638 : i32
        %select_n3A_640 = arith.select %and3A_637, %sub3A_639, %div3A_618 : i32
        %mul3A_641 = arith.constant 8192 : i32
        %mul3A_642 = arith.muli %select_n3A_640, %mul3A_641 : i32
        %add3A_643 = arith.constant 1024 : i32
        %add3A_644 = arith.addi %mul3A_642, %add3A_643 : i32
        %jit3A_645 = arith.constant 12 : i32
        %eq3A_646 = arith.constant 0 : i32
        %eq3A_647 = arith.cmpi eq, %jit3A_645, %eq3A_646 : i32
        %jit3A_648 = arith.constant 1 : i32
        %select_n3A_649 = arith.select %eq3A_647, %jit3A_648, %jit3A_645 : i32
        %rem3A_650 = arith.remsi %add3A_616, %select_n3A_649 : i32
        %ne3A_651 = arith.constant 0 : i32
        %ne3A_652 = arith.cmpi ne, %rem3A_650, %ne3A_651 : i32
        %lt3A_653 = arith.constant 0 : i32
        %lt3A_654 = arith.cmpi slt, %rem3A_650, %lt3A_653 : i32
        %lt3A_655 = arith.constant 0 : i32
        %lt3A_656 = arith.cmpi slt, %select_n3A_649, %lt3A_655 : i32
        %ne3A_657 = arith.xori %lt3A_654, %lt3A_656 : i1
        %and3A_658 = arith.andi %ne3A_657, %ne3A_652 : i1
        %add3A_659 = arith.addi %rem3A_650, %select_n3A_649 : i32
        %select_n3A_660 = arith.select %and3A_658, %add3A_659, %rem3A_650 : i32
        %mul3A_661 = arith.constant 512 : i32
        %mul3A_662 = arith.muli %select_n3A_660, %mul3A_661 : i32
        %add3A_663 = arith.addi %add3A_644, %mul3A_662 : i32
        %dma_start3A_664 = arith.constant 0 : i32
        %dma_start3A_665 = tpu.memref_slice %arg1[%add3A_663, %dma_start3A_664] : memref<32768x1024xf32, #tpu.memory_space<any>> -> memref<512x1024xf32, #tpu.memory_space<any>>
        tpu.enqueue_dma source(%dma_start3A_665 : memref<512x1024xf32, #tpu.memory_space<any>>) target(%arg5 : memref<512x1024xf32, #tpu.memory_space<vmem>>) target_semaphore(%arg11 : memref<!tpu.dma_semaphore, #tpu.memory_space<semaphore_mem>>)
      } else {
      }
      %mul3A_413 = arith.constant 6 : i32
      %mul3A_414 = arith.muli %mul3A_413, %scan3A_32 : i32
      %add3A_415 = arith.constant 4 : i32
      %add3A_416 = arith.addi %mul3A_414, %add3A_415 : i32
      %jit3A_417 = arith.constant 12 : i32
      %div3A_418 = arith.divsi %add3A_416, %jit3A_417 : i32
      %sign3A_419 = arith.constant 0 : i32
      %sign3A_420 = arith.cmpi sgt, %add3A_416, %sign3A_419 : i32
      %sign3A_421 = arith.extui %sign3A_420 : i1 to i32
      %sign3A_422 = arith.constant 0 : i32
      %sign3A_423 = arith.cmpi slt, %add3A_416, %sign3A_422 : i32
      %sign3A_424 = arith.extui %sign3A_423 : i1 to i32
      %sign3A_425 = arith.subi %sign3A_421, %sign3A_424 : i32
      %sign3A_426 = arith.constant 0 : i32
      %sign3A_427 = arith.cmpi sgt, %jit3A_417, %sign3A_426 : i32
      %sign3A_428 = arith.extui %sign3A_427 : i1 to i32
      %sign3A_429 = arith.constant 0 : i32
      %sign3A_430 = arith.cmpi slt, %jit3A_417, %sign3A_429 : i32
      %sign3A_431 = arith.extui %sign3A_430 : i1 to i32
      %sign3A_432 = arith.subi %sign3A_428, %sign3A_431 : i32
      %ne3A_433 = arith.cmpi ne, %sign3A_425, %sign3A_432 : i32
      %rem3A_434 = arith.remsi %add3A_416, %jit3A_417 : i32
      %ne3A_435 = arith.constant 0 : i32
      %ne3A_436 = arith.cmpi ne, %rem3A_434, %ne3A_435 : i32
      %and3A_437 = arith.andi %ne3A_433, %ne3A_436 : i1
      %sub3A_438 = arith.constant 1 : i32
      %sub3A_439 = arith.subi %div3A_418, %sub3A_438 : i32
      %select_n3A_440 = arith.select %and3A_437, %sub3A_439, %div3A_418 : i32
      %mul3A_441 = arith.constant 8192 : i32
      %mul3A_442 = arith.muli %select_n3A_440, %mul3A_441 : i32
      %add3A_443 = arith.constant 1024 : i32
      %add3A_444 = arith.addi %mul3A_442, %add3A_443 : i32
      %jit3A_445 = arith.constant 12 : i32
      %eq3A_446 = arith.constant 0 : i32
      %eq3A_447 = arith.cmpi eq, %jit3A_445, %eq3A_446 : i32
      %jit3A_448 = arith.constant 1 : i32
      %select_n3A_449 = arith.select %eq3A_447, %jit3A_448, %jit3A_445 : i32
      %rem3A_450 = arith.remsi %add3A_416, %select_n3A_449 : i32
      %ne3A_451 = arith.constant 0 : i32
      %ne3A_452 = arith.cmpi ne, %rem3A_450, %ne3A_451 : i32
      %lt3A_453 = arith.constant 0 : i32
      %lt3A_454 = arith.cmpi slt, %rem3A_450, %lt3A_453 : i32
      %lt3A_455 = arith.constant 0 : i32
      %lt3A_456 = arith.cmpi slt, %select_n3A_449, %lt3A_455 : i32
      %ne3A_457 = arith.xori %lt3A_454, %lt3A_456 : i1
      %and3A_458 = arith.andi %ne3A_457, %ne3A_452 : i1
      %add3A_459 = arith.addi %rem3A_450, %select_n3A_449 : i32
      %select_n3A_460 = arith.select %and3A_458, %add3A_459, %rem3A_450 : i32
      %mul3A_461 = arith.constant 512 : i32
      %mul3A_462 = arith.muli %select_n3A_460, %mul3A_461 : i32
      %add3A_463 = arith.addi %add3A_444, %mul3A_462 : i32
      %dma_wait3A_464 = arith.constant 0 : i32
      %dma_wait3A_465 = tpu.memref_slice %arg1[%add3A_463, %dma_wait3A_464] : memref<32768x1024xf32, #tpu.memory_space<any>> -> memref<512x1024xf32, #tpu.memory_space<any>>
      tpu.wait_dma2 semaphore(%arg14 : memref<!tpu.dma_semaphore, #tpu.memory_space<semaphore_mem>>) src(%dma_wait3A_465 : memref<512x1024xf32, #tpu.memory_space<any>>) dst(%arg8 : memref<512x1024xf32, #tpu.memory_space<vmem>>)
      %jit3A_466 = arith.constant 12 : i32
      %div3A_467 = arith.divsi %add3A_416, %jit3A_466 : i32
      %sign3A_468 = arith.constant 0 : i32
      %sign3A_469 = arith.cmpi sgt, %add3A_416, %sign3A_468 : i32
      %sign3A_470 = arith.extui %sign3A_469 : i1 to i32
      %sign3A_471 = arith.constant 0 : i32
      %sign3A_472 = arith.cmpi slt, %add3A_416, %sign3A_471 : i32
      %sign3A_473 = arith.extui %sign3A_472 : i1 to i32
      %sign3A_474 = arith.subi %sign3A_470, %sign3A_473 : i32
      %sign3A_475 = arith.constant 0 : i32
      %sign3A_476 = arith.cmpi sgt, %jit3A_466, %sign3A_475 : i32
      %sign3A_477 = arith.extui %sign3A_476 : i1 to i32
      %sign3A_478 = arith.constant 0 : i32
      %sign3A_479 = arith.cmpi slt, %jit3A_466, %sign3A_478 : i32
      %sign3A_480 = arith.extui %sign3A_479 : i1 to i32
      %sign3A_481 = arith.subi %sign3A_477, %sign3A_480 : i32
      %ne3A_482 = arith.cmpi ne, %sign3A_474, %sign3A_481 : i32
      %rem3A_483 = arith.remsi %add3A_416, %jit3A_466 : i32
      %ne3A_484 = arith.constant 0 : i32
      %ne3A_485 = arith.cmpi ne, %rem3A_483, %ne3A_484 : i32
      %and3A_486 = arith.andi %ne3A_482, %ne3A_485 : i1
      %sub3A_487 = arith.constant 1 : i32
      %sub3A_488 = arith.subi %div3A_467, %sub3A_487 : i32
      %select_n3A_489 = arith.select %and3A_486, %sub3A_488, %div3A_467 : i32
      %get3A_490 = arith.index_cast %select_n3A_489 : i32 to index
      %get3A_491 = arith.constant 0 : index
      %get3A_492 = vector.load %arg0[%get3A_490, %get3A_491] : memref<4x1024xf32, #tpu.memory_space<vmem>>, vector<1x1024xf32>
      %get3A_493 = arith.constant 0 : index
      %get3A_494 = arith.constant 0 : index
      %get3A_495 = vector.load %arg8[%get3A_493, %get3A_494] : memref<512x1024xf32, #tpu.memory_space<vmem>>, vector<512x1024xf32>
      %sub3A_496 = vector.broadcast %get3A_492 : vector<1x1024xf32> to vector<512x1024xf32>
      %sub3A_497 = arith.subf %get3A_495, %sub3A_496 : vector<512x1024xf32>
      %swap3A_498 = arith.constant 0 : index
      %swap3A_499 = arith.constant 0 : index
      %swap3A_500 = vector.load %arg8[%swap3A_498, %swap3A_499] : memref<512x1024xf32, #tpu.memory_space<vmem>>, vector<512x1024xf32>
      tpu.vector_store %arg8[%swap3A_498, %swap3A_499], %sub3A_497 {strides = array<i32>} : memref<512x1024xf32, #tpu.memory_space<vmem>>, vector<512x1024xf32>,
      %mul3A_501 = arith.constant 512 : i32
      %mul3A_502 = arith.muli %add3A_416, %mul3A_501 : i32
      %dma_start3A_503 = arith.constant 0 : i32
      %dma_start3A_504 = tpu.memref_slice %arg3[%mul3A_502, %dma_start3A_503] : memref<24576x1024xf32, #tpu.memory_space<any>> -> memref<512x1024xf32, #tpu.memory_space<any>>
      tpu.enqueue_dma source(%arg8 : memref<512x1024xf32, #tpu.memory_space<vmem>>) target(%dma_start3A_504 : memref<512x1024xf32, #tpu.memory_space<any>>) target_semaphore(%arg20 : memref<!tpu.dma_semaphore, #tpu.memory_space<semaphore_mem>>)
      %add3A_505 = arith.constant 4 : i32
      %add3A_506 = arith.addi %add3A_416, %add3A_505 : i32
      %lt3A_507 = arith.constant 42 : i32
      %lt3A_508 = arith.cmpi slt, %add3A_506, %lt3A_507 : i32
      %convert_element_type3A_509 = arith.extui %lt3A_508 : i1 to i32
      %cond3A_510 = arith.constant 0 : i32
      %cond3A_511 = arith.cmpi ne, %convert_element_type3A_509, %cond3A_510 : i32
      scf.if %cond3A_511 {
        %ge3A = arith.constant 2 : i32
        %ge3A_611 = arith.cmpi sge, %add3A_416, %ge3A : i32
        %convert_element_type3A_612 = arith.extui %ge3A_611 : i1 to i32
        %cond3A_613 = arith.constant 0 : i32
        %cond3A_614 = arith.cmpi ne, %convert_element_type3A_612, %cond3A_613 : i32
        scf.if %cond3A_614 {
          %add3A_666 = arith.constant 4 : i32
          %add3A_667 = arith.addi %add3A_416, %add3A_666 : i32
          %sub3A_668 = arith.constant 6 : i32
          %sub3A_669 = arith.subi %add3A_667, %sub3A_668 : i32
          %mul3A_670 = arith.constant 512 : i32
          %mul3A_671 = arith.muli %sub3A_669, %mul3A_670 : i32
          %dma_wait3A_672 = arith.constant 0 : i32
          %dma_wait3A_673 = tpu.memref_slice %arg3[%mul3A_671, %dma_wait3A_672] : memref<24576x1024xf32, #tpu.memory_space<any>> -> memref<512x1024xf32, #tpu.memory_space<any>>
          tpu.wait_dma2 semaphore(%arg18 : memref<!tpu.dma_semaphore, #tpu.memory_space<semaphore_mem>>) src(%arg6 : memref<512x1024xf32, #tpu.memory_space<vmem>>) dst(%dma_wait3A_673 : memref<512x1024xf32, #tpu.memory_space<any>>)
        } else {
        }
        %add3A_615 = arith.constant 4 : i32
        %add3A_616 = arith.addi %add3A_416, %add3A_615 : i32
        %jit3A_617 = arith.constant 12 : i32
        %div3A_618 = arith.divsi %add3A_616, %jit3A_617 : i32
        %sign3A_619 = arith.constant 0 : i32
        %sign3A_620 = arith.cmpi sgt, %add3A_616, %sign3A_619 : i32
        %sign3A_621 = arith.extui %sign3A_620 : i1 to i32
        %sign3A_622 = arith.constant 0 : i32
        %sign3A_623 = arith.cmpi slt, %add3A_616, %sign3A_622 : i32
        %sign3A_624 = arith.extui %sign3A_623 : i1 to i32
        %sign3A_625 = arith.subi %sign3A_621, %sign3A_624 : i32
        %sign3A_626 = arith.constant 0 : i32
        %sign3A_627 = arith.cmpi sgt, %jit3A_617, %sign3A_626 : i32
        %sign3A_628 = arith.extui %sign3A_627 : i1 to i32
        %sign3A_629 = arith.constant 0 : i32
        %sign3A_630 = arith.cmpi slt, %jit3A_617, %sign3A_629 : i32
        %sign3A_631 = arith.extui %sign3A_630 : i1 to i32
        %sign3A_632 = arith.subi %sign3A_628, %sign3A_631 : i32
        %ne3A_633 = arith.cmpi ne, %sign3A_625, %sign3A_632 : i32
        %rem3A_634 = arith.remsi %add3A_616, %jit3A_617 : i32
        %ne3A_635 = arith.constant 0 : i32
        %ne3A_636 = arith.cmpi ne, %rem3A_634, %ne3A_635 : i32
        %and3A_637 = arith.andi %ne3A_633, %ne3A_636 : i1
        %sub3A_638 = arith.constant 1 : i32
        %sub3A_639 = arith.subi %div3A_618, %sub3A_638 : i32
        %select_n3A_640 = arith.select %and3A_637, %sub3A_639, %div3A_618 : i32
        %mul3A_641 = arith.constant 8192 : i32
        %mul3A_642 = arith.muli %select_n3A_640, %mul3A_641 : i32
        %add3A_643 = arith.constant 1024 : i32
        %add3A_644 = arith.addi %mul3A_642, %add3A_643 : i32
        %jit3A_645 = arith.constant 12 : i32
        %eq3A_646 = arith.constant 0 : i32
        %eq3A_647 = arith.cmpi eq, %jit3A_645, %eq3A_646 : i32
        %jit3A_648 = arith.constant 1 : i32
        %select_n3A_649 = arith.select %eq3A_647, %jit3A_648, %jit3A_645 : i32
        %rem3A_650 = arith.remsi %add3A_616, %select_n3A_649 : i32
        %ne3A_651 = arith.constant 0 : i32
        %ne3A_652 = arith.cmpi ne, %rem3A_650, %ne3A_651 : i32
        %lt3A_653 = arith.constant 0 : i32
        %lt3A_654 = arith.cmpi slt, %rem3A_650, %lt3A_653 : i32
        %lt3A_655 = arith.constant 0 : i32
        %lt3A_656 = arith.cmpi slt, %select_n3A_649, %lt3A_655 : i32
        %ne3A_657 = arith.xori %lt3A_654, %lt3A_656 : i1
        %and3A_658 = arith.andi %ne3A_657, %ne3A_652 : i1
        %add3A_659 = arith.addi %rem3A_650, %select_n3A_649 : i32
        %select_n3A_660 = arith.select %and3A_658, %add3A_659, %rem3A_650 : i32
        %mul3A_661 = arith.constant 512 : i32
        %mul3A_662 = arith.muli %select_n3A_660, %mul3A_661 : i32
        %add3A_663 = arith.addi %add3A_644, %mul3A_662 : i32
        %dma_start3A_664 = arith.constant 0 : i32
        %dma_start3A_665 = tpu.memref_slice %arg1[%add3A_663, %dma_start3A_664] : memref<32768x1024xf32, #tpu.memory_space<any>> -> memref<512x1024xf32, #tpu.memory_space<any>>
        tpu.enqueue_dma source(%dma_start3A_665 : memref<512x1024xf32, #tpu.memory_space<any>>) target(%arg6 : memref<512x1024xf32, #tpu.memory_space<vmem>>) target_semaphore(%arg12 : memref<!tpu.dma_semaphore, #tpu.memory_space<semaphore_mem>>)
      } else {
      }
      %mul3A_512 = arith.constant 6 : i32
      %mul3A_513 = arith.muli %mul3A_512, %scan3A_32 : i32
      %add3A_514 = arith.constant 5 : i32
      %add3A_515 = arith.addi %mul3A_513, %add3A_514 : i32
      %jit3A_516 = arith.constant 12 : i32
      %div3A_517 = arith.divsi %add3A_515, %jit3A_516 : i32
      %sign3A_518 = arith.constant 0 : i32
      %sign3A_519 = arith.cmpi sgt, %add3A_515, %sign3A_518 : i32
      %sign3A_520 = arith.extui %sign3A_519 : i1 to i32
      %sign3A_521 = arith.constant 0 : i32
      %sign3A_522 = arith.cmpi slt, %add3A_515, %sign3A_521 : i32
      %sign3A_523 = arith.extui %sign3A_522 : i1 to i32
      %sign3A_524 = arith.subi %sign3A_520, %sign3A_523 : i32
      %sign3A_525 = arith.constant 0 : i32
      %sign3A_526 = arith.cmpi sgt, %jit3A_516, %sign3A_525 : i32
      %sign3A_527 = arith.extui %sign3A_526 : i1 to i32
      %sign3A_528 = arith.constant 0 : i32
      %sign3A_529 = arith.cmpi slt, %jit3A_516, %sign3A_528 : i32
      %sign3A_530 = arith.extui %sign3A_529 : i1 to i32
      %sign3A_531 = arith.subi %sign3A_527, %sign3A_530 : i32
      %ne3A_532 = arith.cmpi ne, %sign3A_524, %sign3A_531 : i32
      %rem3A_533 = arith.remsi %add3A_515, %jit3A_516 : i32
      %ne3A_534 = arith.constant 0 : i32
      %ne3A_535 = arith.cmpi ne, %rem3A_533, %ne3A_534 : i32
      %and3A_536 = arith.andi %ne3A_532, %ne3A_535 : i1
      %sub3A_537 = arith.constant 1 : i32
      %sub3A_538 = arith.subi %div3A_517, %sub3A_537 : i32
      %select_n3A_539 = arith.select %and3A_536, %sub3A_538, %div3A_517 : i32
      %mul3A_540 = arith.constant 8192 : i32
      %mul3A_541 = arith.muli %select_n3A_539, %mul3A_540 : i32
      %add3A_542 = arith.constant 1024 : i32
      %add3A_543 = arith.addi %mul3A_541, %add3A_542 : i32
      %jit3A_544 = arith.constant 12 : i32
      %eq3A_545 = arith.constant 0 : i32
      %eq3A_546 = arith.cmpi eq, %jit3A_544, %eq3A_545 : i32
      %jit3A_547 = arith.constant 1 : i32
      %select_n3A_548 = arith.select %eq3A_546, %jit3A_547, %jit3A_544 : i32
      %rem3A_549 = arith.remsi %add3A_515, %select_n3A_548 : i32
      %ne3A_550 = arith.constant 0 : i32
      %ne3A_551 = arith.cmpi ne, %rem3A_549, %ne3A_550 : i32
      %lt3A_552 = arith.constant 0 : i32
      %lt3A_553 = arith.cmpi slt, %rem3A_549, %lt3A_552 : i32
      %lt3A_554 = arith.constant 0 : i32
      %lt3A_555 = arith.cmpi slt, %select_n3A_548, %lt3A_554 : i32
      %ne3A_556 = arith.xori %lt3A_553, %lt3A_555 : i1
      %and3A_557 = arith.andi %ne3A_556, %ne3A_551 : i1
      %add3A_558 = arith.addi %rem3A_549, %select_n3A_548 : i32
      %select_n3A_559 = arith.select %and3A_557, %add3A_558, %rem3A_549 : i32
      %mul3A_560 = arith.constant 512 : i32
      %mul3A_561 = arith.muli %select_n3A_559, %mul3A_560 : i32
      %add3A_562 = arith.addi %add3A_543, %mul3A_561 : i32
      %dma_wait3A_563 = arith.constant 0 : i32
      %dma_wait3A_564 = tpu.memref_slice %arg1[%add3A_562, %dma_wait3A_563] : memref<32768x1024xf32, #tpu.memory_space<any>> -> memref<512x1024xf32, #tpu.memory_space<any>>
      tpu.wait_dma2 semaphore(%arg15 : memref<!tpu.dma_semaphore, #tpu.memory_space<semaphore_mem>>) src(%dma_wait3A_564 : memref<512x1024xf32, #tpu.memory_space<any>>) dst(%arg9 : memref<512x1024xf32, #tpu.memory_space<vmem>>)
      %jit3A_565 = arith.constant 12 : i32
      %div3A_566 = arith.divsi %add3A_515, %jit3A_565 : i32
      %sign3A_567 = arith.constant 0 : i32
      %sign3A_568 = arith.cmpi sgt, %add3A_515, %sign3A_567 : i32
      %sign3A_569 = arith.extui %sign3A_568 : i1 to i32
      %sign3A_570 = arith.constant 0 : i32
      %sign3A_571 = arith.cmpi slt, %add3A_515, %sign3A_570 : i32
      %sign3A_572 = arith.extui %sign3A_571 : i1 to i32
      %sign3A_573 = arith.subi %sign3A_569, %sign3A_572 : i32
      %sign3A_574 = arith.constant 0 : i32
      %sign3A_575 = arith.cmpi sgt, %jit3A_565, %sign3A_574 : i32
      %sign3A_576 = arith.extui %sign3A_575 : i1 to i32
      %sign3A_577 = arith.constant 0 : i32
      %sign3A_578 = arith.cmpi slt, %jit3A_565, %sign3A_577 : i32
      %sign3A_579 = arith.extui %sign3A_578 : i1 to i32
      %sign3A_580 = arith.subi %sign3A_576, %sign3A_579 : i32
      %ne3A_581 = arith.cmpi ne, %sign3A_573, %sign3A_580 : i32
      %rem3A_582 = arith.remsi %add3A_515, %jit3A_565 : i32
      %ne3A_583 = arith.constant 0 : i32
      %ne3A_584 = arith.cmpi ne, %rem3A_582, %ne3A_583 : i32
      %and3A_585 = arith.andi %ne3A_581, %ne3A_584 : i1
      %sub3A_586 = arith.constant 1 : i32
      %sub3A_587 = arith.subi %div3A_566, %sub3A_586 : i32
      %select_n3A_588 = arith.select %and3A_585, %sub3A_587, %div3A_566 : i32
      %get3A_589 = arith.index_cast %select_n3A_588 : i32 to index
      %get3A_590 = arith.constant 0 : index
      %get3A_591 = vector.load %arg0[%get3A_589, %get3A_590] : memref<4x1024xf32, #tpu.memory_space<vmem>>, vector<1x1024xf32>
      %get3A_592 = arith.constant 0 : index
      %get3A_593 = arith.constant 0 : index
      %get3A_594 = vector.load %arg9[%get3A_592, %get3A_593] : memref<512x1024xf32, #tpu.memory_space<vmem>>, vector<512x1024xf32>
      %sub3A_595 = vector.broadcast %get3A_591 : vector<1x1024xf32> to vector<512x1024xf32>
      %sub3A_596 = arith.subf %get3A_594, %sub3A_595 : vector<512x1024xf32>
      %swap3A_597 = arith.constant 0 : index
      %swap3A_598 = arith.constant 0 : index
      %swap3A_599 = vector.load %arg9[%swap3A_597, %swap3A_598] : memref<512x1024xf32, #tpu.memory_space<vmem>>, vector<512x1024xf32>
      tpu.vector_store %arg9[%swap3A_597, %swap3A_598], %sub3A_596 {strides = array<i32>} : memref<512x1024xf32, #tpu.memory_space<vmem>>, vector<512x1024xf32>,
      %mul3A_600 = arith.constant 512 : i32
      %mul3A_601 = arith.muli %add3A_515, %mul3A_600 : i32
      %dma_start3A_602 = arith.constant 0 : i32
      %dma_start3A_603 = tpu.memref_slice %arg3[%mul3A_601, %dma_start3A_602] : memref<24576x1024xf32, #tpu.memory_space<any>> -> memref<512x1024xf32, #tpu.memory_space<any>>
      tpu.enqueue_dma source(%arg9 : memref<512x1024xf32, #tpu.memory_space<vmem>>) target(%dma_start3A_603 : memref<512x1024xf32, #tpu.memory_space<any>>) target_semaphore(%arg21 : memref<!tpu.dma_semaphore, #tpu.memory_space<semaphore_mem>>)
      %add3A_604 = arith.constant 4 : i32
      %add3A_605 = arith.addi %add3A_515, %add3A_604 : i32
      %lt3A_606 = arith.constant 42 : i32
      %lt3A_607 = arith.cmpi slt, %add3A_605, %lt3A_606 : i32
      %convert_element_type3A_608 = arith.extui %lt3A_607 : i1 to i32
      %cond3A_609 = arith.constant 0 : i32
      %cond3A_610 = arith.cmpi ne, %convert_element_type3A_608, %cond3A_609 : i32
      scf.if %cond3A_610 {
        %ge3A = arith.constant 2 : i32
        %ge3A_611 = arith.cmpi sge, %add3A_515, %ge3A : i32
        %convert_element_type3A_612 = arith.extui %ge3A_611 : i1 to i32
        %cond3A_613 = arith.constant 0 : i32
        %cond3A_614 = arith.cmpi ne, %convert_element_type3A_612, %cond3A_613 : i32
        scf.if %cond3A_614 {
          %add3A_666 = arith.constant 4 : i32
          %add3A_667 = arith.addi %add3A_515, %add3A_666 : i32
          %sub3A_668 = arith.constant 6 : i32
          %sub3A_669 = arith.subi %add3A_667, %sub3A_668 : i32
          %mul3A_670 = arith.constant 512 : i32
          %mul3A_671 = arith.muli %sub3A_669, %mul3A_670 : i32
          %dma_wait3A_672 = arith.constant 0 : i32
          %dma_wait3A_673 = tpu.memref_slice %arg3[%mul3A_671, %dma_wait3A_672] : memref<24576x1024xf32, #tpu.memory_space<any>> -> memref<512x1024xf32, #tpu.memory_space<any>>
          tpu.wait_dma2 semaphore(%arg19 : memref<!tpu.dma_semaphore, #tpu.memory_space<semaphore_mem>>) src(%arg7 : memref<512x1024xf32, #tpu.memory_space<vmem>>) dst(%dma_wait3A_673 : memref<512x1024xf32, #tpu.memory_space<any>>)
        } else {
        }
        %add3A_615 = arith.constant 4 : i32
        %add3A_616 = arith.addi %add3A_515, %add3A_615 : i32
        %jit3A_617 = arith.constant 12 : i32
        %div3A_618 = arith.divsi %add3A_616, %jit3A_617 : i32
        %sign3A_619 = arith.constant 0 : i32
        %sign3A_620 = arith.cmpi sgt, %add3A_616, %sign3A_619 : i32
        %sign3A_621 = arith.extui %sign3A_620 : i1 to i32
        %sign3A_622 = arith.constant 0 : i32
        %sign3A_623 = arith.cmpi slt, %add3A_616, %sign3A_622 : i32
        %sign3A_624 = arith.extui %sign3A_623 : i1 to i32
        %sign3A_625 = arith.subi %sign3A_621, %sign3A_624 : i32
        %sign3A_626 = arith.constant 0 : i32
        %sign3A_627 = arith.cmpi sgt, %jit3A_617, %sign3A_626 : i32
        %sign3A_628 = arith.extui %sign3A_627 : i1 to i32
        %sign3A_629 = arith.constant 0 : i32
        %sign3A_630 = arith.cmpi slt, %jit3A_617, %sign3A_629 : i32
        %sign3A_631 = arith.extui %sign3A_630 : i1 to i32
        %sign3A_632 = arith.subi %sign3A_628, %sign3A_631 : i32
        %ne3A_633 = arith.cmpi ne, %sign3A_625, %sign3A_632 : i32
        %rem3A_634 = arith.remsi %add3A_616, %jit3A_617 : i32
        %ne3A_635 = arith.constant 0 : i32
        %ne3A_636 = arith.cmpi ne, %rem3A_634, %ne3A_635 : i32
        %and3A_637 = arith.andi %ne3A_633, %ne3A_636 : i1
        %sub3A_638 = arith.constant 1 : i32
        %sub3A_639 = arith.subi %div3A_618, %sub3A_638 : i32
        %select_n3A_640 = arith.select %and3A_637, %sub3A_639, %div3A_618 : i32
        %mul3A_641 = arith.constant 8192 : i32
        %mul3A_642 = arith.muli %select_n3A_640, %mul3A_641 : i32
        %add3A_643 = arith.constant 1024 : i32
        %add3A_644 = arith.addi %mul3A_642, %add3A_643 : i32
        %jit3A_645 = arith.constant 12 : i32
        %eq3A_646 = arith.constant 0 : i32
        %eq3A_647 = arith.cmpi eq, %jit3A_645, %eq3A_646 : i32
        %jit3A_648 = arith.constant 1 : i32
        %select_n3A_649 = arith.select %eq3A_647, %jit3A_648, %jit3A_645 : i32
        %rem3A_650 = arith.remsi %add3A_616, %select_n3A_649 : i32
        %ne3A_651 = arith.constant 0 : i32
        %ne3A_652 = arith.cmpi ne, %rem3A_650, %ne3A_651 : i32
        %lt3A_653 = arith.constant 0 : i32
        %lt3A_654 = arith.cmpi slt, %rem3A_650, %lt3A_653 : i32
        %lt3A_655 = arith.constant 0 : i32
        %lt3A_656 = arith.cmpi slt, %select_n3A_649, %lt3A_655 : i32
        %ne3A_657 = arith.xori %lt3A_654, %lt3A_656 : i1
        %and3A_658 = arith.andi %ne3A_657, %ne3A_652 : i1
        %add3A_659 = arith.addi %rem3A_650, %select_n3A_649 : i32
        %select_n3A_660 = arith.select %and3A_658, %add3A_659, %rem3A_650 : i32
        %mul3A_661 = arith.constant 512 : i32
        %mul3A_662 = arith.muli %select_n3A_660, %mul3A_661 : i32
        %add3A_663 = arith.addi %add3A_644, %mul3A_662 : i32
        %dma_start3A_664 = arith.constant 0 : i32
        %dma_start3A_665 = tpu.memref_slice %arg1[%add3A_663, %dma_start3A_664] : memref<32768x1024xf32, #tpu.memory_space<any>> -> memref<512x1024xf32, #tpu.memory_space<any>>
        tpu.enqueue_dma source(%dma_start3A_665 : memref<512x1024xf32, #tpu.memory_space<any>>) target(%arg7 : memref<512x1024xf32, #tpu.memory_space<vmem>>) target_semaphore(%arg13 : memref<!tpu.dma_semaphore, #tpu.memory_space<semaphore_mem>>)
      } else {
      }
    }
    %scan3A_14 = arith.constant 7 : i32
    %dma_wait3A = arith.constant 18432 : i32
    %dma_wait3A_15 = arith.constant 0 : i32
    %dma_wait3A_16 = tpu.memref_slice %arg3[%dma_wait3A, %dma_wait3A_15] : memref<24576x1024xf32, #tpu.memory_space<any>> -> memref<512x1024xf32, #tpu.memory_space<any>>
    tpu.wait_dma2 semaphore(%arg16 : memref<!tpu.dma_semaphore, #tpu.memory_space<semaphore_mem>>) src(%arg4 : memref<512x1024xf32, #tpu.memory_space<vmem>>) dst(%dma_wait3A_16 : memref<512x1024xf32, #tpu.memory_space<any>>)
    %dma_wait3A_17 = arith.constant 18944 : i32
    %dma_wait3A_18 = arith.constant 0 : i32
    %dma_wait3A_19 = tpu.memref_slice %arg3[%dma_wait3A_17, %dma_wait3A_18] : memref<24576x1024xf32, #tpu.memory_space<any>> -> memref<512x1024xf32, #tpu.memory_space<any>>
    tpu.wait_dma2 semaphore(%arg17 : memref<!tpu.dma_semaphore, #tpu.memory_space<semaphore_mem>>) src(%arg5 : memref<512x1024xf32, #tpu.memory_space<vmem>>) dst(%dma_wait3A_19 : memref<512x1024xf32, #tpu.memory_space<any>>)
    %dma_wait3A_20 = arith.constant 19456 : i32
    %dma_wait3A_21 = arith.constant 0 : i32
    %dma_wait3A_22 = tpu.memref_slice %arg3[%dma_wait3A_20, %dma_wait3A_21] : memref<24576x1024xf32, #tpu.memory_space<any>> -> memref<512x1024xf32, #tpu.memory_space<any>>
    tpu.wait_dma2 semaphore(%arg18 : memref<!tpu.dma_semaphore, #tpu.memory_space<semaphore_mem>>) src(%arg6 : memref<512x1024xf32, #tpu.memory_space<vmem>>) dst(%dma_wait3A_22 : memref<512x1024xf32, #tpu.memory_space<any>>)
    %dma_wait3A_23 = arith.constant 19968 : i32
    %dma_wait3A_24 = arith.constant 0 : i32
    %dma_wait3A_25 = tpu.memref_slice %arg3[%dma_wait3A_23, %dma_wait3A_24] : memref<24576x1024xf32, #tpu.memory_space<any>> -> memref<512x1024xf32, #tpu.memory_space<any>>
    tpu.wait_dma2 semaphore(%arg19 : memref<!tpu.dma_semaphore, #tpu.memory_space<semaphore_mem>>) src(%arg7 : memref<512x1024xf32, #tpu.memory_space<vmem>>) dst(%dma_wait3A_25 : memref<512x1024xf32, #tpu.memory_space<any>>)
    %dma_wait3A_26 = arith.constant 20480 : i32
    %dma_wait3A_27 = arith.constant 0 : i32
    %dma_wait3A_28 = tpu.memref_slice %arg3[%dma_wait3A_26, %dma_wait3A_27] : memref<24576x1024xf32, #tpu.memory_space<any>> -> memref<512x1024xf32, #tpu.memory_space<any>>
    tpu.wait_dma2 semaphore(%arg20 : memref<!tpu.dma_semaphore, #tpu.memory_space<semaphore_mem>>) src(%arg8 : memref<512x1024xf32, #tpu.memory_space<vmem>>) dst(%dma_wait3A_28 : memref<512x1024xf32, #tpu.memory_space<any>>)
    %dma_wait3A_29 = arith.constant 20992 : i32
    %dma_wait3A_30 = arith.constant 0 : i32
    %dma_wait3A_31 = tpu.memref_slice %arg3[%dma_wait3A_29, %dma_wait3A_30] : memref<24576x1024xf32, #tpu.memory_space<any>> -> memref<512x1024xf32, #tpu.memory_space<any>>
    tpu.wait_dma2 semaphore(%arg21 : memref<!tpu.dma_semaphore, #tpu.memory_space<semaphore_mem>>) src(%arg9 : memref<512x1024xf32, #tpu.memory_space<vmem>>) dst(%dma_wait3A_31 : memref<512x1024xf32, #tpu.memory_space<any>>)
    return
  }
}

</mosaic_0001>

<sc_bundles>
// kernel: kernel.4.cloned.1.call-start
scs
__scs_entry_jumppad:
0x0: {  	(pc) =	sbr.rel $0x88, $3  }
0x1: {  	(tag) =	ssettag $0x0;
	lr =	simm.s32 $0x1  }
0x2: {  	[smem:$0x3FA0] =	sst lr;
	_ =	strace $0xD0000000  }
0x3: {  	_ = 	snop  }
0x4: {  	_ = 	snop  }
0x5: {  	_ = 	snop  }
0x6: {  	_ = 	snop  }
0x7: {  	_ = 	snop  }
__scs_overlays_trampoline_lowered:
0x8: {  	[smem:$0x3FAF] =	sst s0  }
0x9: {  	[smem:$0x3FB0] =	sst s1  }
0xa: {  	[smem:$0x3FB1] =	sst s2  }
0xb: {  	[smem:$0x3FB2] =	sst s3  }
0xc: {  	[smem:$0x3FB3] =	sst s4  }
0xd: {  	[smem:$0x3FB4] =	sst s5  }
0xe: {  	[smem:$0x3FB5] =	sst s6  }
0xf: {  	[smem:$0x3FB6] =	sst s7  }
0x10: {  	[smem:$0x3FB7] =	sst s8  }
0x11: {  	[smem:$0x3FB8] =	sst s9;
	s0 =	simm.s32 @!p0 $0x0  }
0x12: {  	s1 =	sld [smem:$0x3F9E];
	s0 =	simm.s32 @p0 $0x1  }
0x13: {  	[smem:$0x3FB9] =	sst s0;
	s0 =	simm.s32 @!p1 $0x0  }
0x14: {  	s2 =	sld [smem:$0x3F9D];
	s0 =	simm.s32 @p1 $0x1  }
0x15: {  	[smem:$0x3FBA] =	sst s0;
	s0 =	simm.s32 @!p2 $0x0  }
0x16: {  	s3 =	sld [smem:$0x3FDB];
	s0 =	simm.s32 @p2 $0x1  }
0x17: {  	s4 =	simm.s32 $0x1BF5;
	[smem:$0x3FBC] =	sst s0  }
0x18: {  	s0 =	sld [smem:$0x3F9F];
	_ =	swait.ge [sflag:s4], $0x0  }
0x19: {  	s7 =	sld [smem:$0x3FA0]  }
0x1a: {  	s8 =	sadd.s32 $0xFFFFE003, lr  }
0x1b: {  	s9 =	sadd.s32 $0xFFFFFEF7, lr;
	s5 =	simm.s32 $0xFFFFFFFF;
	p2 =	slt.u32 s8, $0xFFFFF086  }
0x1c: {  	p1 =	slt.u32 s9, $0xF7A;
	s5 =	simm.s32 @!p2 $0x0  }
0x1d: {  	s5 =	simm.s32 @p1 $0x1;
	p0 =	seq.s32 s7, s2  }
0x1e: {  	s7 =	smul.u32 @!p0 $0xF7A, s2;
	p2 =	seq.s32 @!p0 s5, $0x0  }
0x1f: {  	s9 =	smul.u32 $0xF7A, s1;
	s8 =	simm.s32 @!p0 $0x1BF5;
	p2 =	por !p2, p0  }
0x20: {  	[sflag:s8] =	ssyncset.s32 @!p0 $0xFFFFF086;
	s6 =	sadd.s32 @!p0 s3, s7;
	s7 =	simm.s32 @!p0 $0x108  }
0x21: {  	s3 =	sadd.s32 s3, s9;
	s6 =	sadd.s32 @!p0 $0x88, s6;
	s7 =	simm.s32 @p2 $0x1082  }
0x22: {  	[simem:s7], [sflag:s8] =	dma.local @!p0 [hbm:s6], $0xF7A  }
0x23: {  	s9 =	sor.u32 $0xD0000000, s2;
	s6 =	simm.s32 $0x108;
	_ =	swait.ge @!p0 [sflag:s8], $0x0  }
0x24: {  	s3 =	sadd.s32 $0x88, s3;
	s6 =	simm.s32 @!p1 $0x1082;
	[sflag:s4] =	ssyncset.s32 $0xFFFFF086  }
0x25: {  	[simem:s6], [sflag:s4] =	dma.local [hbm:s3], $0xF7A  }
0x26: {  	[smem:$0x3FA0] =	sst s1;
	(tag) =	ssettag s2;
	_ =	strace s9  }
0x27: {  	s1 =	sld [smem:$0x3FB0]  }
0x28: {  	s2 =	sld [smem:$0x3FB1]  }
0x29: {  	s4 =	sld [smem:$0x3FB3]  }
0x2a: {  	p0 =	seq.s32 s5, $0x0;
	s5 =	sld [smem:$0x3FB4]  }
0x2b: {  	s6 =	sld [smem:$0x3FB5]  }
0x2c: {  	s7 =	sld [smem:$0x3FB6]  }
0x2d: {  	s3 =	simm.s32 $0x108;
	s8 =	sld [smem:$0x3FB7]  }
0x2e: {  	s3 =	simm.s32 @!p0 $0x1082;
	s9 =	sld [smem:$0x3FB8]  }
0x2f: {  	lr =	sadd.s32 s0, s3;
	s0 =	sld [smem:$0x3FAF]  }
0x30: {  	s3 =	sld [smem:$0x3FB2]  }
0x31: {  	[smem:$0x3FBB] =	sst s10  }
0x32: {  	s10 =	sld [smem:$0x3FB9];
	_ =	sdelay $0x3  }
0x33: {  	p0 =	seq.s32 s10, $0x1;
	s10 =	sld [smem:$0x3FBB];
	_ =	sdelay $0x3  }
0x34: {  	[smem:$0x3FBB] =	sst s10  }
0x35: {  	s10 =	sld [smem:$0x3FBA];
	_ =	sdelay $0x3  }
0x36: {  	p1 =	seq.s32 s10, $0x1;
	s10 =	sld [smem:$0x3FBB];
	_ =	sdelay $0x3  }
0x37: {  	[smem:$0x3FBB] =	sst s10  }
0x38: {  	s10 =	sld [smem:$0x3FBC]  }
0x39: {  	_ = 	snop;
	(pc) =	sbr.ind lr, $3  }
0x3a: {  	_ = 	snop  }
0x3b: {  	_ = 	snop  }
0x3c: {  	p2 =	seq.s32 s10, $0x1;
	s10 =	sld [smem:$0x3FBB]  }
0x3d: {  	_ =	shalt  }
0x3e: {  	_ =	shalt  }
0x3f: {  	_ =	shalt  }
0x40: {  	_ =	shalt  }
0x41: {  	_ =	shalt  }
0x42: {  	_ =	shalt  }
0x43: {  	_ =	shalt  }
0x44: {  	_ =	shalt  }
0x45: {  	_ =	shalt  }
0x46: {  	_ =	shalt  }
0x47: {  	_ =	shalt  }
0x48: {  	_ =	shalt  }
0x49: {  	_ =	shalt  }
0x4a: {  	_ =	shalt  }
0x4b: {  	_ =	shalt  }
0x4c: {  	_ =	shalt  }
0x4d: {  	_ =	shalt  }
0x4e: {  	_ =	shalt  }
0x4f: {  	_ =	shalt  }
0x50: {  	_ =	shalt  }
0x51: {  	_ =	shalt  }
0x52: {  	_ =	shalt  }
0x53: {  	_ =	shalt  }
0x54: {  	_ =	shalt  }
0x55: {  	_ =	shalt  }
0x56: {  	_ =	shalt  }
0x57: {  	_ =	shalt  }
0x58: {  	_ =	shalt  }
0x59: {  	_ =	shalt  }
0x5a: {  	_ =	shalt  }
0x5b: {  	_ =	shalt  }
0x5c: {  	_ =	shalt  }
0x5d: {  	_ =	shalt  }
0x5e: {  	_ =	shalt  }
0x5f: {  	_ =	shalt  }
0x60: {  	_ =	shalt  }
0x61: {  	_ =	shalt  }
0x62: {  	_ =	shalt  }
0x63: {  	_ =	shalt  }
0x64: {  	_ =	shalt  }
0x65: {  	_ =	shalt  }
0x66: {  	_ =	shalt  }
0x67: {  	_ =	shalt  }
0x68: {  	_ =	shalt  }
0x69: {  	_ =	shalt  }
0x6a: {  	_ =	shalt  }
0x6b: {  	_ =	shalt  }
0x6c: {  	_ =	shalt  }
0x6d: {  	_ =	shalt  }
0x6e: {  	_ =	shalt  }
0x6f: {  	_ =	shalt  }
0x70: {  	_ =	shalt  }
0x71: {  	_ =	shalt  }
0x72: {  	_ =	shalt  }
0x73: {  	_ =	shalt  }
0x74: {  	_ =	shalt  }
0x75: {  	_ =	shalt  }
0x76: {  	_ =	shalt  }
0x77: {  	_ =	shalt  }
0x78: {  	_ =	shalt  }
0x79: {  	_ =	shalt  }
0x7a: {  	_ =	shalt  }
0x7b: {  	_ =	shalt  }
0x7c: {  	_ =	shalt  }
0x7d: {  	_ =	shalt  }
0x7e: {  	_ =	shalt  }
0x7f: {  	_ =	shalt  }
0x80: {  	_ =	shalt  }
0x81: {  	_ =	shalt  }
0x82: {  	_ =	shalt  }
0x83: {  	_ =	shalt  }
0x84: {  	_ =	shalt  }
0x85: {  	_ =	shalt  }
0x86: {  	_ =	shalt  }
0x87: {  	_ =	shalt  }
.Lfunc_end0:
.L_simem_size_0:
called_computation_lowered:
.L_overlay_start_0:
0x88: {  	s2 =	sld [smem:$0x3FD9]  }
0x89: {  	s3 =	sld [smem:$0x3FFE];
	_ =	sdelay $0x1  }
0x8a: {  	s1 =	srdreg.scid  }
0x8b: {  	s0 =	sand.u32 $0x1, s1  }
0x8c: {  	s18 =	sshll.u32 s0, $0xA;
	s2 =	sadd.s32 s3, s2  }
0x8d: {  	s2 =	sadd.s32 s2, s18  }
0x8e: {  	[smem:$0x3FC7] =	sst s2  }
0x8f: {  	_ = 	snop  }
0x90: {  	s2 =	sld [smem:$0x3FC9]  }
0x91: {  	s19 =	sld [smem:$0x3FD0];
	(tm) =	ssettm $0x1  }
0x92: {  	s4 =	sld [smem:$0x3FFB];
	_ =	sdelay $0x3  }
0x93: {  	_ =	strace s4  }
0x94: {  	s4 =	sld [smem:$0x3FFC];
	_ =	sdelay $0x3  }
0x95: {  	_ =	strace s4  }
0x96: {  	s4 =	sld [smem:$0x3FFD];
	_ =	sdelay $0x3  }
0x97: {  	_ =	strace s4  }
0x98: {  	_ =	strace $0x8FFFFFFF  }
0x99: {  	s20 =	sld [smem:$0x3FDB];
	_ =	sdelay $0x1  }
0x9a: {  	s5 =	simm.s32 $_scs_section_size  }
0x9b: {  	s6 =	simm.s32 $_size__tile_overlayer_lowered;
	s7 =	simm.s32 $_tile_overlayer_lowered  }
0x9c: {  	s23 =	simm.s32 $0x1BFF;
	s22 =	sshll.u32 s7, $0x1;
	s4 =	sadd.s32 s5, s20  }
0x9d: {  	s8 =	simm.s32 $0x0;
	s21 =	sshll.u32 s6, $0x1;
	s6 =	sadd.s32 s22, s4  }
0x9e: {  	[timem:s8], [sflag:s23] =	dma.local [hbm:s6], s21  }
0x9f: {  	_ =	swait.ge [sflag:s23], s21  }
0xa0: {  	s5 =	ssub.s32 $0x0, s21;
	[sflag:s23] =	ssyncset.done $0x0  }
0xa1: {  	[sflag:s23] =	ssyncadd.s32 s5;
	_ =	sdelay $0x1  }
0xa2: {  	s24 =	simm.s32 $0x1B8B  }
0xa3: {  	_ =	swait.ge [sflag:s24], $0x1  }
0xa4: {  	[sflag:s24] =	ssyncset.done $0x0  }
0xa5: {  	s25 =	simm.s32 $0x1B8E;
	[sflag:s24] =	ssyncadd.s32 $0xFFFFFFFF  }
0xa6: {  	s26 =	simm.s32 $execute0_lowered;
	[smem:$0x3FD2] =	sst s25  }
0xa7: {  	s5 =	sshll.u32 s26, $0x1;
	_ =	strace $0x80000046;
	[dreg:$0x1] =	wrdreg $0xFFFFFFFF  }
0xa8: {  	s28 =	simm.s32 $_size_execute0_lowered;
	s4 =	sadd.s32 s4, s5;
	[dreg:$0x0] =	wrdreg $0x0  }
0xa9: {  	s5 =	sshll.u32 s28, $0x1;
	[dreg:$0x2] =	wrdreg s4  }
0xaa: {  	[dreg:$0x3] =	wrdreg s5  }
0xab: {  	[dreg:$0x4] =	wrdreg $0xC0  }
0xac: {  	_ =	task [dreg:s8], $0x5FFFF  }
0xad: {  	[dreg:$0x1] =	wrdreg $0xFFFFFFFF  }
0xae: {  	[dreg:$0x0] =	wrdreg $0x60  }
0xaf: {  	[dreg:$0x2] =	wrdreg s2  }
0xb0: {  	[dreg:$0x3] =	wrdreg s19  }
0xb1: {  	[dreg:$0x4] =	wrdreg $0x9  }
0xb2: {  	_ =	task.clear_ibuf [dreg:s8], $0x5FFFF;
	_ =	strace $0x90000046  }
0xb3: {  	s29 =	simm.s32 $0x9;
	_ =	strace $0x80000048  }
0xb4: {  	_ =	swait.ge [sflag:s29], $0x1  }
0xb5: {  	[sflag:s29] =	ssyncadd.s32 $0xFFFFFFFF  }
0xb6: {  	_ =	strace $0x90000048  }
0xb7: {  	_ =	sfence  }
0xb8: {  	s30 =	sld [smem:$0x0];
	_ =	sdelay $0x2  }
0xb9: {  	s31 =	sshll.u32 s1, $0xD;
	s1 =	sshrl.u32 s1, $0x2  }
0xba: {  	s3 =	sand.u32 $0x4000, s31;
	s1 =	sadd.s32 s1, s30  }
0xbb: {  	s0 =	sor.u32 s3, s0;
	s1 =	sshll.u32 s1, $0x11  }
0xbc: {  	s0 =	sor.u32 s1, s0  }
0xbd: {  	s0 =	sadd.s32 $0x8F2B, s0  }
0xbe: {  	[sflag:s0] =	ssyncadd.remote.s32 $0x1  }
0xbf: {  	_ =	sfence.sel $0xFFFF  }
0xc0: {  	[dreg:$0x0] =	wrdreg $0xFFFFFFFF;
	(pc) =	sbr.abs _section_cstart, $3  }
0xc1: {  	[dreg:$0x1] =	wrdreg $0xFFFFFFFF  }
0xc2: {  	_ =	task.clear_ibuf [dreg:s8], $0x2FFFF;
	_ =	strace $0x9FFFFFFF  }
0xc3: {  	(tm) =	ssettm $0x7FFFFFFF  }
tec
execute0_lowered:
.L_overlay_start_1:
0x0: {  	(tag) =	ssettag $0x1  }
0x1: {  	s1 =	srdreg.scid;
	s5 =	rddreg [dreg:$0x0]  }
0x2: {  	s0 =	stileid.u32;
	s6 =	rddreg [dreg:$0x1];
	s2 =	simm.s32 $0x0  }
0x3: {  	s11 =	simm.s32 $0x400;
	s12 =	simm.s32 $0x8400;
	s13 =	simm.s32 $0x80  }
0x4: {  	s14 =	simm.s32 $0x7;
	s15 =	simm.s32 $0x1;
	s16 =	simm.s32 $0x10400  }
0x5: {  	s17 =	simm.s32 $0x2;
	s18 =	simm.s32 $0x4;
	s19 =	simm.s32 $0x3  }
0x6: {  	s20 =	simm.s32 $0x5;
	s3 =	sand.u32 $0x1, s1;
	s30 =	sshll.u32 s0, $0x1  }
0x7: {  	s21 =	simm.s32 $0x6;
	s1 =	sor.u32 s3, s30;
	s3 =	ssub.s32 $0x2, s3  }
0x8: {  	[smem:$0x7FF] =	sst s2;
	s4 =	smul.u32 $0x18000, s1;
	s7 =	sshrl.u32 s3, $0x1  }
0x9: {  	s22 =	simm.s32 $0x0;
	s1 =	rddreg [dreg:$0x2];
	s10 =	ssub.s32 s3, s7  }
0xa: {  	_ =	strace $0x80000047;
	s8 =	sshrl.u32 s4, $0x3;
	s10 =	smax.u32 s10, $0x1  }
0xb: {  	s31 =	sadd.s32 s5, s8;
	s9 =	sadd.s32 s6, s8;
	s5 =	sadd.s32 $0x300000, s5  }
0xc: {  	s3 =	sadd.s32 $0x380000, s31;
	s4 =	sadd.s32 $0x381000, s31;
	s6 =	sadd.s32 $0x2A0000, s9  }
0xd: {  	s7 =	sadd.s32 $0x382000, s31;
	s8 =	sadd.s32 $0x2A1000, s9;
	s9 =	sadd.s32 $0x2A2000, s9  }
.LBB2_1:
0xe: {  	[tilespmem:s11], [sflag:$0x1] =	stream.linear.gather [hbm4b:s3+s2], $0x8000, $0x38;
	[tilespmem:$0x18400] =	vst v63  }
0xf: {  	_ = 	snop  }
0x10: {  	[tilespmem:s12], [sflag:$0x2] =	stream.linear.gather [hbm4b:s4+s2], $0x8000, $0x38;
	[tilespmem:$0x18400] =	vst v63  }
0x11: {  	_ = 	snop  }
0x12: {  	[tilespmem:s2], [sflag:$0x7] =	stream.strided.gather [hbm4b:s5+s13], $0x400, s11, s13, $0x38;
	[tilespmem:$0x18400] =	vst v63  }
0x13: {  	_ =	swait.ge [sflag:s14], $0x400  }
0x14: {  	[sflag:s14] =	ssyncset.done $0x0  }
0x15: {  	[sflag:s14] =	ssyncadd.s32 $0xFFFFFC00  }
0x16: {  	_ =	swait.ge [sflag:s15], $0x8000  }
0x17: {  	s23 =	simm.s32 $0x0;
	[sflag:s15] =	ssyncset.done $0x0  }
0x18: {  	s24 =	simm.s32 $0x0;
	s25 =	simm.s32 $0x0;
	[sflag:s15] =	ssyncadd.s32 $0xFFFF8000  }
.LBB2_2:
0x19: {  	s26 =	sshll.u32 s24, $0x2;
	s28 =	sand.u32 $0x7, s23  }
0x1a: {  	s26 =	sand.u32 $0xFFFFF000, s26;
	s28 =	sshll.u32 s28, $0x6  }
0x1b: {  	s26 =	sor.u32 s28, s26  }
0x1c: {  	s28 =	sshll.u32 s25, $0x4;
	s26 =	sshrl.u32 s26, $0x2  }
0x1d: {  	v0 =	vld [tilespmem:s28+$0x0];
	s26 =	sadd.s32 $0x600, s26  }
0x1e: {  	v3 =	vld [tilespmem:s26+$0x180]  }
0x1f: {  	v5 =	vld [tilespmem:s26+$0xFFFFFE80]  }
0x20: {  	v7 =	vld [tilespmem:s26+$0xFFFFFF00]  }
0x21: {  	v4 =	vld [tilespmem:s26+$0xFFFFFF80]  }
0x22: {  	v2 =	vld [tilespmem:s26+$0x0]  }
0x23: {  	v1 =	vld [tilespmem:s26+$0x80];
	v8 =	vsub.f32 v3, v0  }
0x24: {  	v3 =	vld [tilespmem:s26+$0x100];
	v6 =	vsub.f32 v5, v0  }
0x25: {  	s28 =	simm.s32 $0x0;
	s29 =	sadd.s32 $0x2000, s26;
	v5 =	vld [tilespmem:s26+$0xFFFFFE00];
	v7 =	vsub.f32 v7, v0;
	[tilespmem:s26+$0x180] =	vst v8  }
.LBB2_3:
0x26: {  	v8 =	vld [tilespmem:s29+$0x180];
	s28 =	sadd.s32 $0x8, s28;
	[tilespmem:s26+$0xFFFFFE80] =	vst v6;
	v4 =	vsub.f32 v4, v0  }
0x27: {  	v6 =	vld [tilespmem:s29+$0xFFFFFE80];
	p0 =	slt.u32 s28, $0x18;
	[tilespmem:s26+$0xFFFFFF00] =	vst v7;
	v2 =	vsub.f32 v2, v0  }
0x28: {  	v7 =	vld [tilespmem:s29+$0xFFFFFF00];
	[tilespmem:s26+$0xFFFFFF80] =	vst v4;
	v1 =	vsub.f32 v1, v0  }
.Ltmp0:
0x29: {  	v4 =	vld [tilespmem:s29+$0xFFFFFF80];
	[tilespmem:s26+$0x0] =	vst v2;
	v3 =	vsub.f32 v3, v0;
	(pc) =	sbr.rel @p0 .LBB2_3-.Ltmp0, $4  }
0x2a: {  	v2 =	vld [tilespmem:s29+$0x0];
	v5 =	vsub.f32 v5, v0;
	[tilespmem:s26+$0x80] =	vst v1  }
0x2b: {  	v1 =	vld [tilespmem:s29+$0x80];
	v8 =	vsub.f32 v8, v0;
	[tilespmem:s26+$0x100] =	vst v3  }
0x2c: {  	v6 =	vsub.f32 v6, v0;
	v3 =	vld [tilespmem:s29+$0x100];
	[tilespmem:s26+$0xFFFFFE00] =	vst v5;
	s26 =	smov.u32 s29  }
0x2d: {  	s29 =	sadd.s32 $0x2000, s29;
	v5 =	vld [tilespmem:s26+$0xFFFFFE00];
	v7 =	vsub.f32 v7, v0;
	[tilespmem:s26+$0x180] =	vst v8  }
0x2e: {  	[tilespmem:s26+$0xFFFFFE80] =	vst v6;
	v4 =	vsub.f32 v4, v0;
	s25 =	sadd.s32 $0x1, s25  }
0x2f: {  	[tilespmem:s26+$0xFFFFFF00] =	vst v7;
	v2 =	vsub.f32 v2, v0;
	p0 =	sne.s32 s25, $0x40  }
.Ltmp1:
0x30: {  	[tilespmem:s26+$0xFFFFFF80] =	vst v4;
	v1 =	vsub.f32 v1, v0;
	(pc) =	sbr.rel @p0 .LBB2_2-.Ltmp1, $4  }
0x31: {  	[tilespmem:s26+$0x0] =	vst v2;
	v62 =	vsub.f32 v3, v0  }
0x32: {  	v63 =	vsub.f32 v5, v0;
	[tilespmem:s26+$0x80] =	vst v1  }
0x33: {  	[tilespmem:s26+$0x100] =	vst v62  }
0x34: {  	s24 =	sadd.s32 $0x80, s24;
	s23 =	sadd.s32 $0x1, s23;
	[tilespmem:s26+$0xFFFFFE00] =	vst v63  }
0x35: {  	s23 =	simm.s32 $0x0  }
0x36: {  	[hbm4b:s6+s23] =	stream.linear.scatter [tilespmem:s11], [sflag:$0x4], $0x8000, $0x38;
	[tilespmem:$0x18400] =	vst v63  }
0x37: {  	_ = 	snop  }
0x38: {  	[tilespmem:s16], [sflag:$0x3] =	stream.linear.gather [hbm4b:s7+s23], $0x8000, $0x38;
	[tilespmem:$0x18400] =	vst v63  }
0x39: {  	_ =	swait.ge [sflag:s17], $0x8000  }
0x3a: {  	[sflag:s17] =	ssyncset.done $0x0  }
0x3b: {  	s24 =	simm.s32 $0x0;
	s25 =	simm.s32 $0x0;
	[sflag:s17] =	ssyncadd.s32 $0xFFFF8000  }
.LBB2_6:
0x3c: {  	s26 =	sshll.u32 s24, $0x2;
	s28 =	sand.u32 $0x7, s23  }
0x3d: {  	s26 =	sand.u32 $0xFFFFF000, s26;
	s28 =	sshll.u32 s28, $0x6  }
0x3e: {  	s26 =	sor.u32 s28, s26  }
0x3f: {  	s28 =	sshll.u32 s25, $0x4;
	s26 =	sshrl.u32 s26, $0x2  }
0x40: {  	v0 =	vld [tilespmem:s28+$0x0];
	s26 =	sadd.s32 $0x8600, s26  }
0x41: {  	v3 =	vld [tilespmem:s26+$0x180]  }
0x42: {  	v5 =	vld [tilespmem:s26+$0xFFFFFE80]  }
0x43: {  	v7 =	vld [tilespmem:s26+$0xFFFFFF00]  }
0x44: {  	v4 =	vld [tilespmem:s26+$0xFFFFFF80]  }
0x45: {  	v2 =	vld [tilespmem:s26+$0x0]  }
0x46: {  	v1 =	vld [tilespmem:s26+$0x80];
	v8 =	vsub.f32 v3, v0  }
0x47: {  	v3 =	vld [tilespmem:s26+$0x100];
	v6 =	vsub.f32 v5, v0  }
0x48: {  	s28 =	simm.s32 $0x0;
	s29 =	sadd.s32 $0x2000, s26;
	v5 =	vld [tilespmem:s26+$0xFFFFFE00];
	v7 =	vsub.f32 v7, v0;
	[tilespmem:s26+$0x180] =	vst v8  }
.LBB2_7:
0x49: {  	v8 =	vld [tilespmem:s29+$0x180];
	s28 =	sadd.s32 $0x8, s28;
	[tilespmem:s26+$0xFFFFFE80] =	vst v6;
	v4 =	vsub.f32 v4, v0  }
0x4a: {  	v6 =	vld [tilespmem:s29+$0xFFFFFE80];
	p0 =	slt.u32 s28, $0x18;
	[tilespmem:s26+$0xFFFFFF00] =	vst v7;
	v2 =	vsub.f32 v2, v0  }
0x4b: {  	v7 =	vld [tilespmem:s29+$0xFFFFFF00];
	[tilespmem:s26+$0xFFFFFF80] =	vst v4;
	v1 =	vsub.f32 v1, v0  }
.Ltmp2:
0x4c: {  	v4 =	vld [tilespmem:s29+$0xFFFFFF80];
	[tilespmem:s26+$0x0] =	vst v2;
	v3 =	vsub.f32 v3, v0;
	(pc) =	sbr.rel @p0 .LBB2_7-.Ltmp2, $4  }
0x4d: {  	v2 =	vld [tilespmem:s29+$0x0];
	v5 =	vsub.f32 v5, v0;
	[tilespmem:s26+$0x80] =	vst v1  }
0x4e: {  	v1 =	vld [tilespmem:s29+$0x80];
	v8 =	vsub.f32 v8, v0;
	[tilespmem:s26+$0x100] =	vst v3  }
0x4f: {  	v6 =	vsub.f32 v6, v0;
	v3 =	vld [tilespmem:s29+$0x100];
	[tilespmem:s26+$0xFFFFFE00] =	vst v5;
	s26 =	smov.u32 s29  }
0x50: {  	s29 =	sadd.s32 $0x2000, s29;
	v5 =	vld [tilespmem:s26+$0xFFFFFE00];
	v7 =	vsub.f32 v7, v0;
	[tilespmem:s26+$0x180] =	vst v8  }
0x51: {  	[tilespmem:s26+$0xFFFFFE80] =	vst v6;
	v4 =	vsub.f32 v4, v0;
	s25 =	sadd.s32 $0x1, s25  }
0x52: {  	[tilespmem:s26+$0xFFFFFF00] =	vst v7;
	v2 =	vsub.f32 v2, v0;
	p0 =	sne.s32 s25, $0x40  }
.Ltmp3:
0x53: {  	[tilespmem:s26+$0xFFFFFF80] =	vst v4;
	v1 =	vsub.f32 v1, v0;
	(pc) =	sbr.rel @p0 .LBB2_6-.Ltmp3, $4  }
0x54: {  	[tilespmem:s26+$0x0] =	vst v2;
	v62 =	vsub.f32 v3, v0  }
0x55: {  	v63 =	vsub.f32 v5, v0;
	[tilespmem:s26+$0x80] =	vst v1  }
0x56: {  	[tilespmem:s26+$0x100] =	vst v62  }
0x57: {  	s24 =	sadd.s32 $0x80, s24;
	s23 =	sadd.s32 $0x1, s23;
	[tilespmem:s26+$0xFFFFFE00] =	vst v63  }
0x58: {  	s23 =	simm.s32 $0x0  }
0x59: {  	[hbm4b:s8+s23] =	stream.linear.scatter [tilespmem:s12], [sflag:$0x5], $0x8000, $0x38;
	[tilespmem:$0x18400] =	vst v63  }
0x5a: {  	_ =	swait.ge [sflag:s18], $0x8000  }
0x5b: {  	[sflag:s18] =	ssyncset.done $0x0  }
0x5c: {  	[sflag:s18] =	ssyncadd.s32 $0xFFFF8000  }
0x5d: {  	_ =	swait.ge [sflag:s19], $0x8000  }
0x5e: {  	[sflag:s19] =	ssyncset.done $0x0  }
0x5f: {  	s24 =	simm.s32 $0x0;
	s25 =	simm.s32 $0x0;
	[sflag:s19] =	ssyncadd.s32 $0xFFFF8000  }
.LBB2_10:
0x60: {  	s26 =	sshll.u32 s24, $0x2;
	s28 =	sand.u32 $0x7, s23  }
0x61: {  	s26 =	sand.u32 $0xFFFFF000, s26;
	s28 =	sshll.u32 s28, $0x6  }
0x62: {  	s26 =	sor.u32 s28, s26  }
0x63: {  	s28 =	sshll.u32 s25, $0x4;
	s26 =	sshrl.u32 s26, $0x2  }
0x64: {  	v0 =	vld [tilespmem:s28+$0x0];
	s26 =	sadd.s32 $0x10600, s26  }
0x65: {  	v3 =	vld [tilespmem:s26+$0x180]  }
0x66: {  	v5 =	vld [tilespmem:s26+$0xFFFFFE80]  }
0x67: {  	v7 =	vld [tilespmem:s26+$0xFFFFFF00]  }
0x68: {  	v4 =	vld [tilespmem:s26+$0xFFFFFF80]  }
0x69: {  	v2 =	vld [tilespmem:s26+$0x0]  }
0x6a: {  	v1 =	vld [tilespmem:s26+$0x80];
	v8 =	vsub.f32 v3, v0  }
0x6b: {  	v3 =	vld [tilespmem:s26+$0x100];
	v6 =	vsub.f32 v5, v0  }
0x6c: {  	s28 =	simm.s32 $0x0;
	s29 =	sadd.s32 $0x2000, s26;
	v5 =	vld [tilespmem:s26+$0xFFFFFE00];
	v7 =	vsub.f32 v7, v0;
	[tilespmem:s26+$0x180] =	vst v8  }
.LBB2_11:
0x6d: {  	v8 =	vld [tilespmem:s29+$0x180];
	s28 =	sadd.s32 $0x8, s28;
	[tilespmem:s26+$0xFFFFFE80] =	vst v6;
	v4 =	vsub.f32 v4, v0  }
0x6e: {  	v6 =	vld [tilespmem:s29+$0xFFFFFE80];
	p0 =	slt.u32 s28, $0x18;
	[tilespmem:s26+$0xFFFFFF00] =	vst v7;
	v2 =	vsub.f32 v2, v0  }
0x6f: {  	v7 =	vld [tilespmem:s29+$0xFFFFFF00];
	[tilespmem:s26+$0xFFFFFF80] =	vst v4;
	v1 =	vsub.f32 v1, v0  }
.Ltmp4:
0x70: {  	v4 =	vld [tilespmem:s29+$0xFFFFFF80];
	[tilespmem:s26+$0x0] =	vst v2;
	v3 =	vsub.f32 v3, v0;
	(pc) =	sbr.rel @p0 .LBB2_11-.Ltmp4, $4  }
0x71: {  	v2 =	vld [tilespmem:s29+$0x0];
	v5 =	vsub.f32 v5, v0;
	[tilespmem:s26+$0x80] =	vst v1  }
0x72: {  	v1 =	vld [tilespmem:s29+$0x80];
	v8 =	vsub.f32 v8, v0;
	[tilespmem:s26+$0x100] =	vst v3  }
0x73: {  	v6 =	vsub.f32 v6, v0;
	v3 =	vld [tilespmem:s29+$0x100];
	[tilespmem:s26+$0xFFFFFE00] =	vst v5;
	s26 =	smov.u32 s29  }
0x74: {  	s29 =	sadd.s32 $0x2000, s29;
	v5 =	vld [tilespmem:s26+$0xFFFFFE00];
	v7 =	vsub.f32 v7, v0;
	[tilespmem:s26+$0x180] =	vst v8  }
0x75: {  	[tilespmem:s26+$0xFFFFFE80] =	vst v6;
	v4 =	vsub.f32 v4, v0;
	s25 =	sadd.s32 $0x1, s25  }
0x76: {  	[tilespmem:s26+$0xFFFFFF00] =	vst v7;
	v2 =	vsub.f32 v2, v0;
	p0 =	sne.s32 s25, $0x40  }
.Ltmp5:
0x77: {  	[tilespmem:s26+$0xFFFFFF80] =	vst v4;
	v1 =	vsub.f32 v1, v0;
	(pc) =	sbr.rel @p0 .LBB2_10-.Ltmp5, $4  }
0x78: {  	[tilespmem:s26+$0x0] =	vst v2;
	v62 =	vsub.f32 v3, v0  }
0x79: {  	v63 =	vsub.f32 v5, v0;
	[tilespmem:s26+$0x80] =	vst v1  }
0x7a: {  	[tilespmem:s26+$0x100] =	vst v62  }
0x7b: {  	s24 =	sadd.s32 $0x80, s24;
	s23 =	sadd.s32 $0x1, s23;
	[tilespmem:s26+$0xFFFFFE00] =	vst v63  }
0x7c: {  	[hbm4b:s9+s2] =	stream.linear.scatter [tilespmem:s16], [sflag:$0x6], $0x8000, $0x38;
	[tilespmem:$0x18400] =	vst v63  }
0x7d: {  	s22 =	sadd.s32 $0x1, s22  }
0x7e: {  	_ =	swait.ge [sflag:s20], $0x8000;
	p0 =	sne.s32 s22, s10  }
.Ltmp6:
0x7f: {  	[sflag:s20] =	ssyncset.done $0x0;
	(pc) =	sbr.rel @p0 .LBB2_1-.Ltmp6, $4  }
0x80: {  	[sflag:s20] =	ssyncadd.s32 $0xFFFF8000  }
0x81: {  	_ =	swait.ge [sflag:s21], $0x8000  }
0x82: {  	[sflag:s21] =	ssyncset.done $0x0  }
0x83: {  	[sflag:s21] =	ssyncadd.s32 $0xFFFF8000  }
0x84: {  	_ =	sfence.sel $0x180000  }
0x85: {  	[bflag:$0x0] =	sbarrier.arrive $0xFFFF  }
0x86: {  	p0 =	sne.s32 s0, $0x0;
	_ =	strace $0x90000047  }
0x87: {  	s0 =	sadd.s32 @!p0 $0x100000, s1;
	[bflag:$0x2] =	sbarrier.arrive $0xFFFF  }
0x88: {  	[sflag:s0] =	ssyncadd.tile.s32 @!p0 $0x1;
	_ =	shalt  }
.Lfunc_end2:
_tile_overlayer_lowered:
.L_overlay_start_2:
0x89: {  	(tag) =	ssettag $0x2  }
0x8a: {  	s0 =	rddreg [dreg:$0x0];
	s2 =	stileid.u32  }
0x8b: {  	s1 =	rddreg [dreg:$0x1];
	p0 =	sne.s32 s2, $0x0  }
0x8c: {  	s3 =	rddreg [dreg:$0x2];
	[bflag:$0x3] =	sbarrier.arrive $0xFFFF;
	s2 =	simm.s32 @!p0 $0x1C07  }
0x8d: {  	[timem:s3], [sflag:s2] =	dma.local @!p0 [hbm:s0], s1  }
0x8e: {  	s0 =	simm.s32 @!p0 $0x7  }
0x8f: {  	_ =	swait.ge @!p0 [sflag:s0], s1  }
0x90: {  	s1 =	ssub.s32 @!p0 $0x0, s1;
	[sflag:s0] =	ssyncset.done @!p0 $0x0  }
0x91: {  	[sflag:s0] =	ssyncadd.s32 @!p0 s1  }
0x92: {  	[bflag:$0x3] =	sbarrier.arrive $0xFFFF  }
0x93: {  	_ =	shalt  }

</sc_bundles>
